<compile_context>
chip_gen: v7x
topology: tpu7x:2x2x1
jax: 0.10.2.dev20260603
libtpu: 0.0.44.dev20260713+nightly
codegen_flags: <defaults>
</compile_context>

<pallas_src>
import functools

import jax
import jax.numpy as jnp
from jax import lax
from jax.experimental import pallas as pl
from jax.experimental.pallas import tpu as pltpu
from jax.experimental.pallas import tpu_sc as plsc

NUM_LAYERS = 1000
EMBED_DIM = 512
OUT_FEATS = 64
BATCH = 16384

_CHUNK = 128
_L = 16


def _project_body(table_ref, w_ref, b_ref, out_ref):
    acc = jnp.dot(table_ref[...], w_ref[...], preferred_element_type=jnp.float32)
    out_ref[...] = jnp.maximum(acc + b_ref[...], 0.0)


def _project(emb_table, W, b):
    return pl.pallas_call(
        _project_body,
        out_shape=jax.ShapeDtypeStruct((NUM_LAYERS, OUT_FEATS), jnp.float32),
    )(emb_table, W, b.reshape(1, OUT_FEATS))


@functools.cache
def _make_gather(num_cores, num_subcores):
    nw = num_cores * num_subcores
    b_per_w = BATCH // nw
    chunks = b_per_w // _CHUNK
    groups = b_per_w // _L
    mesh = plsc.VectorSubcoreMesh(core_axis_name="c", subcore_axis_name="s")

    @functools.partial(
        pl.kernel,
        mesh=mesh,
        compiler_params=pltpu.CompilerParams(
            use_tc_tiling_on_sc=False,
            needs_layout_passes=False,
            skip_device_barrier=True,
        ),
        out_type=jax.ShapeDtypeStruct((8, BATCH // _CHUNK, 8, _CHUNK), jnp.float32),
        scratch_types=[
            pltpu.VMEM((chunks, _CHUNK), jnp.int32),
            pltpu.VMEM((b_per_w, OUT_FEATS), jnp.float32),
            pltpu.VMEM((8, 8, b_per_w + 1), jnp.float32),
            pltpu.SemaphoreType.DMA,
        ],
    )
    def gather(table_hbm, idx_hbm, out_hbm, idx_v, rows_v, rows_t_v, sem):
        wid = lax.axis_index("s") * num_cores + lax.axis_index("c")
        base = wid * b_per_w
        pltpu.sync_copy(idx_hbm.at[pl.ds(wid * chunks, chunks)], idx_v)
        copies = []
        for j in range(chunks):
            copies.append(
                pltpu.async_copy(
                    table_hbm.at[idx_v.at[j]],
                    rows_v.at[pl.ds(j * _CHUNK, _CHUNK)],
                    sem,
                )
            )
        for c in copies:
            c.wait()
        lanes = lax.iota(jnp.int32, _L)
        i_ids = [(q * _L + lanes) // 8 for q in range(OUT_FEATS // _L)]
        j_ids = [(q * _L + lanes) % 8 for q in range(OUT_FEATS // _L)]

        @plsc.parallel_loop(0, b_per_w, 1)
        def _(b):
            col = jnp.full((_L,), 0, jnp.int32) + b
            for q in range(OUT_FEATS // _L):
                vals = rows_v[b, pl.ds(q * _L, _L)]
                plsc.store_scatter(rows_t_v, [i_ids[q], j_ids[q], col], vals)

        for t in range(chunks):
            pltpu.sync_copy(
                rows_t_v.at[:, :, pl.ds(t * _CHUNK, _CHUNK)],
                out_hbm.at[:, wid * chunks + t, :, :],
            )

    return gather


def kernel(layer_idx, emb_table, W, b):
    proj = _project(emb_table, W, b)
    info = plsc.get_sparse_core_info()
    gather = _make_gather(info.num_cores, info.num_subcores)
    idx2d = layer_idx.astype(jnp.int32).reshape(BATCH // _CHUNK, _CHUNK)
    out4 = gather(proj, idx2d)
    return out4.transpose(1, 3, 0, 2).reshape(BATCH, 1, 8, 8)

# --- scband reference (transcript-rebuilt; emitter-appended) ---
"""Pipeline reference for scband-layer-embedding-73899207295285 (READ-ONLY COPY).

The authoritative reference and input builder live on the scoring server;
editing this copy changes nothing except your own understanding.
"""

import jax, jax.numpy as jnp
import numpy as np

NUM_LAYERS = 1000
EMBED_DIM = 512
OUTPUT_SIZE = 8
BATCH = 16384


def setup_inputs(seed: int = 0) -> dict:
    key = jax.random.key(seed)
    k1, k2, k3, k4 = jax.random.split(key, 4)
    layer_idx = jax.random.randint(k1, (BATCH,), 0, NUM_LAYERS, dtype=jnp.int64 if jax.config.jax_enable_x64 else jnp.int32)
    emb_table = jax.random.normal(k2, (NUM_LAYERS, EMBED_DIM), dtype=jnp.float32)
    # Linear: weight [out, in] torch-style -> store transposed for matmul convenience
    W = jax.random.normal(k3, (EMBED_DIM, OUTPUT_SIZE * OUTPUT_SIZE), dtype=jnp.float32) * (1.0 / np.sqrt(EMBED_DIM))
    b = jax.random.normal(k4, (OUTPUT_SIZE * OUTPUT_SIZE,), dtype=jnp.float32) * 0.01
    return {"layer_idx": layer_idx, "emb_table": emb_table, "W": W, "b": b}


def reference(layer_idx, emb_table, W, b):
    # nn.Embedding lookup (gather)
    embed = jnp.take(emb_table, layer_idx, axis=0)  # [B, EMBED_DIM]
    # Linear + ReLU
    spatial = jax.nn.relu(embed @ W + b)  # [B, OUTPUT_SIZE*OUTPUT_SIZE]
    batch_size = embed.shape[0]
    return spatial.reshape(batch_size, 1, OUTPUT_SIZE, OUTPUT_SIZE)

if __name__ == "__main__":
    import jax
    _d = setup_inputs()
    print(jax.jit(kernel)(*tuple(_d.values())))

</pallas_src>

<mosaic_0001>
#map = affine_map<(d0, d1) -> (0, 0)>
#map1 = affine_map<(d0, d1) -> (0, 0, 0, 0)>
module attributes {stable_mosaic.version = 14 : i64} {
  func.func @gather(%arg0: i32, %arg1: i32, %arg2: memref<1000x64xf32, #tpu.memory_space<hbm>>, %arg3: memref<128x128xi32, #tpu.memory_space<hbm>>, %arg4: memref<8x128x8x128xf32, #tpu.memory_space<hbm>>, %arg5: memref<4x128xi32, #tpu.memory_space<vmem>>, %arg6: memref<512x64xf32, #tpu.memory_space<vmem>>, %arg7: memref<8x8x513xf32, #tpu.memory_space<vmem>>, %arg8: memref<!tpu.dma_semaphore, #tpu.memory_space<semaphore_mem>>) attributes {dimension_semantics = [#tpu.dimension_semantics<core_parallel>, #tpu.dimension_semantics<subcore_parallel>], iteration_bounds = array<i64: 2, 16>, scalar_prefetch = 0 : i64, scratch_operands = 4 : i64, tpu.core_type = #tpu.core_type<sc_vector_subcore>, window_params = [{transform_indices = #map}, {transform_indices = #map}, {transform_indices = #map1}]} {
    %mul3A = arith.constant 2 : i32
    %mul3A_0 = arith.muli %arg1, %mul3A : i32
    %add3A = arith.addi %mul3A_0, %arg0 : i32
    %mul3A_1 = arith.constant 512 : i32
    %mul3A_2 = arith.muli %add3A, %mul3A_1 : i32
    %mul3A_3 = arith.constant 4 : i32
    %mul3A_4 = arith.muli %add3A, %mul3A_3 : i32
    "tpu.region"() ({
      %run_scoped3A = tpu.sem_alloc : memref<!tpu.dma_semaphore, #tpu.memory_space<semaphore_mem>>
      %dma_start3A_327 = arith.constant 0 : i32
      %dma_start3A_328 = tpu.memref_slice %arg3[%mul3A_4, %dma_start3A_327] : memref<128x128xi32, #tpu.memory_space<hbm>> -> memref<4x128xi32, #tpu.memory_space<hbm>>
      %dma_start3A_329 = arith.constant 0 : i32
      %dma_start3A_330 = tpu.memref_slice %arg3[%mul3A_4, %dma_start3A_329] : memref<128x128xi32, #tpu.memory_space<hbm>> -> memref<4x128xi32, #tpu.memory_space<hbm>>
      tpu.enqueue_dma source(%dma_start3A_330 : memref<4x128xi32, #tpu.memory_space<hbm>>) target(%arg5 : memref<4x128xi32, #tpu.memory_space<vmem>>) target_semaphore(%run_scoped3A : memref<!tpu.dma_semaphore, #tpu.memory_space<semaphore_mem>>)
      %dma_wait3A_331 = arith.constant 0 : i32
      %dma_wait3A_332 = tpu.memref_slice %arg3[%mul3A_4, %dma_wait3A_331] : memref<128x128xi32, #tpu.memory_space<hbm>> -> memref<4x128xi32, #tpu.memory_space<hbm>>
      %dma_wait3A_333 = arith.constant 0 : i32
      %dma_wait3A_334 = tpu.memref_slice %arg3[%mul3A_4, %dma_wait3A_333] : memref<128x128xi32, #tpu.memory_space<hbm>> -> memref<4x128xi32, #tpu.memory_space<hbm>>
      tpu.wait_dma2 semaphore(%run_scoped3A : memref<!tpu.dma_semaphore, #tpu.memory_space<semaphore_mem>>) src(%dma_wait3A_334 : memref<4x128xi32, #tpu.memory_space<hbm>>) dst(%arg5 : memref<4x128xi32, #tpu.memory_space<vmem>>)
      tpu.yield
    }) : () -> ()
    %dma_start3A = arith.constant 0 : i32
    %dma_start3A_5 = arith.constant 0 : i32
    %dma_start3A_6 = arith.constant 0 : i32
    %dma_start3A_7 = tpu.memref_slice %arg6[%dma_start3A_5, %dma_start3A_6] : memref<512x64xf32, #tpu.memory_space<vmem>> -> memref<128x64xf32, #tpu.memory_space<vmem>>
    %dma_start3A_8 = arith.constant 0 : i32
    %dma_start3A_9 = tpu.memref_slice %arg5[%dma_start3A, %dma_start3A_8] : memref<4x128xi32, #tpu.memory_space<vmem>> -> memref<1x128xi32, #tpu.memory_space<vmem>>
    %dma_start3A_10 = tpu.memref_squeeze %dma_start3A_9 : memref<1x128xi32, #tpu.memory_space<vmem>> -> memref<128xi32, #tpu.memory_space<vmem>>
    %dma_start3A_11 = arith.constant 0 : i32
    %dma_start3A_12 = arith.constant 0 : i32
    %dma_start3A_13 = tpu.memref_slice %arg2[%dma_start3A_11, %dma_start3A_12] : memref<1000x64xf32, #tpu.memory_space<hbm>> -> memref<1000x64xf32, #tpu.memory_space<hbm>>
    tpu.enqueue_indirect_dma source(%dma_start3A_13 : memref<1000x64xf32, #tpu.memory_space<hbm>>) target(%dma_start3A_7 : memref<128x64xf32, #tpu.memory_space<vmem>>) offsets(%dma_start3A_10 : memref<128xi32, #tpu.memory_space<vmem>>) semaphore(%arg8 : memref<!tpu.dma_semaphore, #tpu.memory_space<semaphore_mem>>)
    %dma_start3A_14 = arith.constant 1 : i32
    %dma_start3A_15 = arith.constant 128 : i32
    %dma_start3A_16 = arith.constant 0 : i32
    %dma_start3A_17 = tpu.memref_slice %arg6[%dma_start3A_15, %dma_start3A_16] : memref<512x64xf32, #tpu.memory_space<vmem>> -> memref<128x64xf32, #tpu.memory_space<vmem>>
    %dma_start3A_18 = arith.constant 0 : i32
    %dma_start3A_19 = tpu.memref_slice %arg5[%dma_start3A_14, %dma_start3A_18] : memref<4x128xi32, #tpu.memory_space<vmem>> -> memref<1x128xi32, #tpu.memory_space<vmem>>
    %dma_start3A_20 = tpu.memref_squeeze %dma_start3A_19 : memref<1x128xi32, #tpu.memory_space<vmem>> -> memref<128xi32, #tpu.memory_space<vmem>>
    %dma_start3A_21 = arith.constant 0 : i32
    %dma_start3A_22 = arith.constant 0 : i32
    %dma_start3A_23 = tpu.memref_slice %arg2[%dma_start3A_21, %dma_start3A_22] : memref<1000x64xf32, #tpu.memory_space<hbm>> -> memref<1000x64xf32, #tpu.memory_space<hbm>>
    tpu.enqueue_indirect_dma source(%dma_start3A_23 : memref<1000x64xf32, #tpu.memory_space<hbm>>) target(%dma_start3A_17 : memref<128x64xf32, #tpu.memory_space<vmem>>) offsets(%dma_start3A_20 : memref<128xi32, #tpu.memory_space<vmem>>) semaphore(%arg8 : memref<!tpu.dma_semaphore, #tpu.memory_space<semaphore_mem>>)
    %dma_start3A_24 = arith.constant 2 : i32
    %dma_start3A_25 = arith.constant 256 : i32
    %dma_start3A_26 = arith.constant 0 : i32
    %dma_start3A_27 = tpu.memref_slice %arg6[%dma_start3A_25, %dma_start3A_26] : memref<512x64xf32, #tpu.memory_space<vmem>> -> memref<128x64xf32, #tpu.memory_space<vmem>>
    %dma_start3A_28 = arith.constant 0 : i32
    %dma_start3A_29 = tpu.memref_slice %arg5[%dma_start3A_24, %dma_start3A_28] : memref<4x128xi32, #tpu.memory_space<vmem>> -> memref<1x128xi32, #tpu.memory_space<vmem>>
    %dma_start3A_30 = tpu.memref_squeeze %dma_start3A_29 : memref<1x128xi32, #tpu.memory_space<vmem>> -> memref<128xi32, #tpu.memory_space<vmem>>
    %dma_start3A_31 = arith.constant 0 : i32
    %dma_start3A_32 = arith.constant 0 : i32
    %dma_start3A_33 = tpu.memref_slice %arg2[%dma_start3A_31, %dma_start3A_32] : memref<1000x64xf32, #tpu.memory_space<hbm>> -> memref<1000x64xf32, #tpu.memory_space<hbm>>
    tpu.enqueue_indirect_dma source(%dma_start3A_33 : memref<1000x64xf32, #tpu.memory_space<hbm>>) target(%dma_start3A_27 : memref<128x64xf32, #tpu.memory_space<vmem>>) offsets(%dma_start3A_30 : memref<128xi32, #tpu.memory_space<vmem>>) semaphore(%arg8 : memref<!tpu.dma_semaphore, #tpu.memory_space<semaphore_mem>>)
    %dma_start3A_34 = arith.constant 3 : i32
    %dma_start3A_35 = arith.constant 384 : i32
    %dma_start3A_36 = arith.constant 0 : i32
    %dma_start3A_37 = tpu.memref_slice %arg6[%dma_start3A_35, %dma_start3A_36] : memref<512x64xf32, #tpu.memory_space<vmem>> -> memref<128x64xf32, #tpu.memory_space<vmem>>
    %dma_start3A_38 = arith.constant 0 : i32
    %dma_start3A_39 = tpu.memref_slice %arg5[%dma_start3A_34, %dma_start3A_38] : memref<4x128xi32, #tpu.memory_space<vmem>> -> memref<1x128xi32, #tpu.memory_space<vmem>>
    %dma_start3A_40 = tpu.memref_squeeze %dma_start3A_39 : memref<1x128xi32, #tpu.memory_space<vmem>> -> memref<128xi32, #tpu.memory_space<vmem>>
    %dma_start3A_41 = arith.constant 0 : i32
    %dma_start3A_42 = arith.constant 0 : i32
    %dma_start3A_43 = tpu.memref_slice %arg2[%dma_start3A_41, %dma_start3A_42] : memref<1000x64xf32, #tpu.memory_space<hbm>> -> memref<1000x64xf32, #tpu.memory_space<hbm>>
    tpu.enqueue_indirect_dma source(%dma_start3A_43 : memref<1000x64xf32, #tpu.memory_space<hbm>>) target(%dma_start3A_37 : memref<128x64xf32, #tpu.memory_space<vmem>>) offsets(%dma_start3A_40 : memref<128xi32, #tpu.memory_space<vmem>>) semaphore(%arg8 : memref<!tpu.dma_semaphore, #tpu.memory_space<semaphore_mem>>)
    %dma_wait3A = arith.constant 0 : i32
    %dma_wait3A_44 = arith.constant 0 : i32
    %dma_wait3A_45 = arith.constant 0 : i32
    %dma_wait3A_46 = tpu.memref_slice %arg6[%dma_wait3A_44, %dma_wait3A_45] : memref<512x64xf32, #tpu.memory_space<vmem>> -> memref<128x64xf32, #tpu.memory_space<vmem>>
    %dma_wait3A_47 = arith.constant 0 : i32
    %dma_wait3A_48 = tpu.memref_slice %arg5[%dma_wait3A, %dma_wait3A_47] : memref<4x128xi32, #tpu.memory_space<vmem>> -> memref<1x128xi32, #tpu.memory_space<vmem>>
    %dma_wait3A_49 = tpu.memref_squeeze %dma_wait3A_48 : memref<1x128xi32, #tpu.memory_space<vmem>> -> memref<128xi32, #tpu.memory_space<vmem>>
    %dma_wait3A_50 = arith.constant 0 : i32
    %dma_wait3A_51 = arith.constant 0 : i32
    %dma_wait3A_52 = tpu.memref_slice %arg2[%dma_wait3A_50, %dma_wait3A_51] : memref<1000x64xf32, #tpu.memory_space<hbm>> -> memref<1000x64xf32, #tpu.memory_space<hbm>>
    tpu.wait_indirect_dma semaphore(%arg8 : memref<!tpu.dma_semaphore, #tpu.memory_space<semaphore_mem>>) src(%dma_wait3A_52 : memref<1000x64xf32, #tpu.memory_space<hbm>>) dst(%dma_wait3A_46 : memref<128x64xf32, #tpu.memory_space<vmem>>)
    %dma_wait3A_53 = arith.constant 1 : i32
    %dma_wait3A_54 = arith.constant 128 : i32
    %dma_wait3A_55 = arith.constant 0 : i32
    %dma_wait3A_56 = tpu.memref_slice %arg6[%dma_wait3A_54, %dma_wait3A_55] : memref<512x64xf32, #tpu.memory_space<vmem>> -> memref<128x64xf32, #tpu.memory_space<vmem>>
    %dma_wait3A_57 = arith.constant 0 : i32
    %dma_wait3A_58 = tpu.memref_slice %arg5[%dma_wait3A_53, %dma_wait3A_57] : memref<4x128xi32, #tpu.memory_space<vmem>> -> memref<1x128xi32, #tpu.memory_space<vmem>>
    %dma_wait3A_59 = tpu.memref_squeeze %dma_wait3A_58 : memref<1x128xi32, #tpu.memory_space<vmem>> -> memref<128xi32, #tpu.memory_space<vmem>>
    %dma_wait3A_60 = arith.constant 0 : i32
    %dma_wait3A_61 = arith.constant 0 : i32
    %dma_wait3A_62 = tpu.memref_slice %arg2[%dma_wait3A_60, %dma_wait3A_61] : memref<1000x64xf32, #tpu.memory_space<hbm>> -> memref<1000x64xf32, #tpu.memory_space<hbm>>
    tpu.wait_indirect_dma semaphore(%arg8 : memref<!tpu.dma_semaphore, #tpu.memory_space<semaphore_mem>>) src(%dma_wait3A_62 : memref<1000x64xf32, #tpu.memory_space<hbm>>) dst(%dma_wait3A_56 : memref<128x64xf32, #tpu.memory_space<vmem>>)
    %dma_wait3A_63 = arith.constant 2 : i32
    %dma_wait3A_64 = arith.constant 256 : i32
    %dma_wait3A_65 = arith.constant 0 : i32
    %dma_wait3A_66 = tpu.memref_slice %arg6[%dma_wait3A_64, %dma_wait3A_65] : memref<512x64xf32, #tpu.memory_space<vmem>> -> memref<128x64xf32, #tpu.memory_space<vmem>>
    %dma_wait3A_67 = arith.constant 0 : i32
    %dma_wait3A_68 = tpu.memref_slice %arg5[%dma_wait3A_63, %dma_wait3A_67] : memref<4x128xi32, #tpu.memory_space<vmem>> -> memref<1x128xi32, #tpu.memory_space<vmem>>
    %dma_wait3A_69 = tpu.memref_squeeze %dma_wait3A_68 : memref<1x128xi32, #tpu.memory_space<vmem>> -> memref<128xi32, #tpu.memory_space<vmem>>
    %dma_wait3A_70 = arith.constant 0 : i32
    %dma_wait3A_71 = arith.constant 0 : i32
    %dma_wait3A_72 = tpu.memref_slice %arg2[%dma_wait3A_70, %dma_wait3A_71] : memref<1000x64xf32, #tpu.memory_space<hbm>> -> memref<1000x64xf32, #tpu.memory_space<hbm>>
    tpu.wait_indirect_dma semaphore(%arg8 : memref<!tpu.dma_semaphore, #tpu.memory_space<semaphore_mem>>) src(%dma_wait3A_72 : memref<1000x64xf32, #tpu.memory_space<hbm>>) dst(%dma_wait3A_66 : memref<128x64xf32, #tpu.memory_space<vmem>>)
    %dma_wait3A_73 = arith.constant 3 : i32
    %dma_wait3A_74 = arith.constant 384 : i32
    %dma_wait3A_75 = arith.constant 0 : i32
    %dma_wait3A_76 = tpu.memref_slice %arg6[%dma_wait3A_74, %dma_wait3A_75] : memref<512x64xf32, #tpu.memory_space<vmem>> -> memref<128x64xf32, #tpu.memory_space<vmem>>
    %dma_wait3A_77 = arith.constant 0 : i32
    %dma_wait3A_78 = tpu.memref_slice %arg5[%dma_wait3A_73, %dma_wait3A_77] : memref<4x128xi32, #tpu.memory_space<vmem>> -> memref<1x128xi32, #tpu.memory_space<vmem>>
    %dma_wait3A_79 = tpu.memref_squeeze %dma_wait3A_78 : memref<1x128xi32, #tpu.memory_space<vmem>> -> memref<128xi32, #tpu.memory_space<vmem>>
    %dma_wait3A_80 = arith.constant 0 : i32
    %dma_wait3A_81 = arith.constant 0 : i32
    %dma_wait3A_82 = tpu.memref_slice %arg2[%dma_wait3A_80, %dma_wait3A_81] : memref<1000x64xf32, #tpu.memory_space<hbm>> -> memref<1000x64xf32, #tpu.memory_space<hbm>>
    tpu.wait_indirect_dma semaphore(%arg8 : memref<!tpu.dma_semaphore, #tpu.memory_space<semaphore_mem>>) src(%dma_wait3A_82 : memref<1000x64xf32, #tpu.memory_space<hbm>>) dst(%dma_wait3A_76 : memref<128x64xf32, #tpu.memory_space<vmem>>)
    %iota3A = tpu.iota {dimensions = array<i32: 0>} : vector<16xi32>
    %add3A_83 = arith.constant 0 : i32
    %add3A_84 = vector.broadcast %add3A_83 : i32 to vector<16xi32>
    %add3A_85 = arith.addi %add3A_84, %iota3A : vector<16xi32>
    %jit3A = arith.constant 8 : i32
    %div3A = vector.broadcast %jit3A : i32 to vector<16xi32>
    %div3A_86 = arith.divsi %add3A_85, %div3A : vector<16xi32>
    %sign3A = arith.constant 0 : i32
    %sign3A_87 = vector.broadcast %sign3A : i32 to vector<16xi32>
    %sign3A_88 = arith.cmpi sgt, %add3A_85, %sign3A_87 : vector<16xi32>
    %sign3A_89 = arith.extui %sign3A_88 : vector<16xi1> to vector<16xi32>
    %sign3A_90 = arith.constant 0 : i32
    %sign3A_91 = vector.broadcast %sign3A_90 : i32 to vector<16xi32>
    %sign3A_92 = arith.cmpi slt, %add3A_85, %sign3A_91 : vector<16xi32>
    %sign3A_93 = arith.extui %sign3A_92 : vector<16xi1> to vector<16xi32>
    %sign3A_94 = arith.subi %sign3A_89, %sign3A_93 : vector<16xi32>
    %sign3A_95 = arith.constant 0 : i32
    %sign3A_96 = arith.cmpi sgt, %jit3A, %sign3A_95 : i32
    %sign3A_97 = arith.extui %sign3A_96 : i1 to i32
    %sign3A_98 = arith.constant 0 : i32
    %sign3A_99 = arith.cmpi slt, %jit3A, %sign3A_98 : i32
    %sign3A_100 = arith.extui %sign3A_99 : i1 to i32
    %sign3A_101 = arith.subi %sign3A_97, %sign3A_100 : i32
    %ne3A = vector.broadcast %sign3A_101 : i32 to vector<16xi32>
    %ne3A_102 = arith.cmpi ne, %sign3A_94, %ne3A : vector<16xi32>
    %rem3A = vector.broadcast %jit3A : i32 to vector<16xi32>
    %rem3A_103 = arith.remsi %add3A_85, %rem3A : vector<16xi32>
    %ne3A_104 = arith.constant 0 : i32
    %ne3A_105 = vector.broadcast %ne3A_104 : i32 to vector<16xi32>
    %ne3A_106 = arith.cmpi ne, %rem3A_103, %ne3A_105 : vector<16xi32>
    %and3A = arith.andi %ne3A_102, %ne3A_106 : vector<16xi1>
    %sub3A = arith.constant 1 : i32
    %sub3A_107 = vector.broadcast %sub3A : i32 to vector<16xi32>
    %sub3A_108 = arith.subi %div3A_86, %sub3A_107 : vector<16xi32>
    %select_n3A = arith.select %and3A, %sub3A_108, %div3A_86 : vector<16xi1>, vector<16xi32>
    %add3A_109 = arith.constant 16 : i32
    %add3A_110 = vector.broadcast %add3A_109 : i32 to vector<16xi32>
    %add3A_111 = arith.addi %add3A_110, %iota3A : vector<16xi32>
    %jit3A_112 = arith.constant 8 : i32
    %div3A_113 = vector.broadcast %jit3A_112 : i32 to vector<16xi32>
    %div3A_114 = arith.divsi %add3A_111, %div3A_113 : vector<16xi32>
    %sign3A_115 = arith.constant 0 : i32
    %sign3A_116 = vector.broadcast %sign3A_115 : i32 to vector<16xi32>
    %sign3A_117 = arith.cmpi sgt, %add3A_111, %sign3A_116 : vector<16xi32>
    %sign3A_118 = arith.extui %sign3A_117 : vector<16xi1> to vector<16xi32>
    %sign3A_119 = arith.constant 0 : i32
    %sign3A_120 = vector.broadcast %sign3A_119 : i32 to vector<16xi32>
    %sign3A_121 = arith.cmpi slt, %add3A_111, %sign3A_120 : vector<16xi32>
    %sign3A_122 = arith.extui %sign3A_121 : vector<16xi1> to vector<16xi32>
    %sign3A_123 = arith.subi %sign3A_118, %sign3A_122 : vector<16xi32>
    %sign3A_124 = arith.constant 0 : i32
    %sign3A_125 = arith.cmpi sgt, %jit3A_112, %sign3A_124 : i32
    %sign3A_126 = arith.extui %sign3A_125 : i1 to i32
    %sign3A_127 = arith.constant 0 : i32
    %sign3A_128 = arith.cmpi slt, %jit3A_112, %sign3A_127 : i32
    %sign3A_129 = arith.extui %sign3A_128 : i1 to i32
    %sign3A_130 = arith.subi %sign3A_126, %sign3A_129 : i32
    %ne3A_131 = vector.broadcast %sign3A_130 : i32 to vector<16xi32>
    %ne3A_132 = arith.cmpi ne, %sign3A_123, %ne3A_131 : vector<16xi32>
    %rem3A_133 = vector.broadcast %jit3A_112 : i32 to vector<16xi32>
    %rem3A_134 = arith.remsi %add3A_111, %rem3A_133 : vector<16xi32>
    %ne3A_135 = arith.constant 0 : i32
    %ne3A_136 = vector.broadcast %ne3A_135 : i32 to vector<16xi32>
    %ne3A_137 = arith.cmpi ne, %rem3A_134, %ne3A_136 : vector<16xi32>
    %and3A_138 = arith.andi %ne3A_132, %ne3A_137 : vector<16xi1>
    %sub3A_139 = arith.constant 1 : i32
    %sub3A_140 = vector.broadcast %sub3A_139 : i32 to vector<16xi32>
    %sub3A_141 = arith.subi %div3A_114, %sub3A_140 : vector<16xi32>
    %select_n3A_142 = arith.select %and3A_138, %sub3A_141, %div3A_114 : vector<16xi1>, vector<16xi32>
    %add3A_143 = arith.constant 32 : i32
    %add3A_144 = vector.broadcast %add3A_143 : i32 to vector<16xi32>
    %add3A_145 = arith.addi %add3A_144, %iota3A : vector<16xi32>
    %jit3A_146 = arith.constant 8 : i32
    %div3A_147 = vector.broadcast %jit3A_146 : i32 to vector<16xi32>
    %div3A_148 = arith.divsi %add3A_145, %div3A_147 : vector<16xi32>
    %sign3A_149 = arith.constant 0 : i32
    %sign3A_150 = vector.broadcast %sign3A_149 : i32 to vector<16xi32>
    %sign3A_151 = arith.cmpi sgt, %add3A_145, %sign3A_150 : vector<16xi32>
    %sign3A_152 = arith.extui %sign3A_151 : vector<16xi1> to vector<16xi32>
    %sign3A_153 = arith.constant 0 : i32
    %sign3A_154 = vector.broadcast %sign3A_153 : i32 to vector<16xi32>
    %sign3A_155 = arith.cmpi slt, %add3A_145, %sign3A_154 : vector<16xi32>
    %sign3A_156 = arith.extui %sign3A_155 : vector<16xi1> to vector<16xi32>
    %sign3A_157 = arith.subi %sign3A_152, %sign3A_156 : vector<16xi32>
    %sign3A_158 = arith.constant 0 : i32
    %sign3A_159 = arith.cmpi sgt, %jit3A_146, %sign3A_158 : i32
    %sign3A_160 = arith.extui %sign3A_159 : i1 to i32
    %sign3A_161 = arith.constant 0 : i32
    %sign3A_162 = arith.cmpi slt, %jit3A_146, %sign3A_161 : i32
    %sign3A_163 = arith.extui %sign3A_162 : i1 to i32
    %sign3A_164 = arith.subi %sign3A_160, %sign3A_163 : i32
    %ne3A_165 = vector.broadcast %sign3A_164 : i32 to vector<16xi32>
    %ne3A_166 = arith.cmpi ne, %sign3A_157, %ne3A_165 : vector<16xi32>
    %rem3A_167 = vector.broadcast %jit3A_146 : i32 to vector<16xi32>
    %rem3A_168 = arith.remsi %add3A_145, %rem3A_167 : vector<16xi32>
    %ne3A_169 = arith.constant 0 : i32
    %ne3A_170 = vector.broadcast %ne3A_169 : i32 to vector<16xi32>
    %ne3A_171 = arith.cmpi ne, %rem3A_168, %ne3A_170 : vector<16xi32>
    %and3A_172 = arith.andi %ne3A_166, %ne3A_171 : vector<16xi1>
    %sub3A_173 = arith.constant 1 : i32
    %sub3A_174 = vector.broadcast %sub3A_173 : i32 to vector<16xi32>
    %sub3A_175 = arith.subi %div3A_148, %sub3A_174 : vector<16xi32>
    %select_n3A_176 = arith.select %and3A_172, %sub3A_175, %div3A_148 : vector<16xi1>, vector<16xi32>
    %add3A_177 = arith.constant 48 : i32
    %add3A_178 = vector.broadcast %add3A_177 : i32 to vector<16xi32>
    %add3A_179 = arith.addi %add3A_178, %iota3A : vector<16xi32>
    %jit3A_180 = arith.constant 8 : i32
    %div3A_181 = vector.broadcast %jit3A_180 : i32 to vector<16xi32>
    %div3A_182 = arith.divsi %add3A_179, %div3A_181 : vector<16xi32>
    %sign3A_183 = arith.constant 0 : i32
    %sign3A_184 = vector.broadcast %sign3A_183 : i32 to vector<16xi32>
    %sign3A_185 = arith.cmpi sgt, %add3A_179, %sign3A_184 : vector<16xi32>
    %sign3A_186 = arith.extui %sign3A_185 : vector<16xi1> to vector<16xi32>
    %sign3A_187 = arith.constant 0 : i32
    %sign3A_188 = vector.broadcast %sign3A_187 : i32 to vector<16xi32>
    %sign3A_189 = arith.cmpi slt, %add3A_179, %sign3A_188 : vector<16xi32>
    %sign3A_190 = arith.extui %sign3A_189 : vector<16xi1> to vector<16xi32>
    %sign3A_191 = arith.subi %sign3A_186, %sign3A_190 : vector<16xi32>
    %sign3A_192 = arith.constant 0 : i32
    %sign3A_193 = arith.cmpi sgt, %jit3A_180, %sign3A_192 : i32
    %sign3A_194 = arith.extui %sign3A_193 : i1 to i32
    %sign3A_195 = arith.constant 0 : i32
    %sign3A_196 = arith.cmpi slt, %jit3A_180, %sign3A_195 : i32
    %sign3A_197 = arith.extui %sign3A_196 : i1 to i32
    %sign3A_198 = arith.subi %sign3A_194, %sign3A_197 : i32
    %ne3A_199 = vector.broadcast %sign3A_198 : i32 to vector<16xi32>
    %ne3A_200 = arith.cmpi ne, %sign3A_191, %ne3A_199 : vector<16xi32>
    %rem3A_201 = vector.broadcast %jit3A_180 : i32 to vector<16xi32>
    %rem3A_202 = arith.remsi %add3A_179, %rem3A_201 : vector<16xi32>
    %ne3A_203 = arith.constant 0 : i32
    %ne3A_204 = vector.broadcast %ne3A_203 : i32 to vector<16xi32>
    %ne3A_205 = arith.cmpi ne, %rem3A_202, %ne3A_204 : vector<16xi32>
    %and3A_206 = arith.andi %ne3A_200, %ne3A_205 : vector<16xi1>
    %sub3A_207 = arith.constant 1 : i32
    %sub3A_208 = vector.broadcast %sub3A_207 : i32 to vector<16xi32>
    %sub3A_209 = arith.subi %div3A_182, %sub3A_208 : vector<16xi32>
    %select_n3A_210 = arith.select %and3A_206, %sub3A_209, %div3A_182 : vector<16xi1>, vector<16xi32>
    %add3A_211 = arith.constant 0 : i32
    %add3A_212 = vector.broadcast %add3A_211 : i32 to vector<16xi32>
    %add3A_213 = arith.addi %add3A_212, %iota3A : vector<16xi32>
    %jit3A_214 = arith.constant 8 : i32
    %eq3A = arith.constant 0 : i32
    %eq3A_215 = arith.cmpi eq, %jit3A_214, %eq3A : i32
    %jit3A_216 = arith.constant 1 : i32
    %select_n3A_217 = arith.select %eq3A_215, %jit3A_216, %jit3A_214 : i32
    %rem3A_218 = vector.broadcast %select_n3A_217 : i32 to vector<16xi32>
    %rem3A_219 = arith.remsi %add3A_213, %rem3A_218 : vector<16xi32>
    %ne3A_220 = arith.constant 0 : i32
    %ne3A_221 = vector.broadcast %ne3A_220 : i32 to vector<16xi32>
    %ne3A_222 = arith.cmpi ne, %rem3A_219, %ne3A_221 : vector<16xi32>
    %lt3A = arith.constant 0 : i32
    %lt3A_223 = vector.broadcast %lt3A : i32 to vector<16xi32>
    %lt3A_224 = arith.cmpi slt, %rem3A_219, %lt3A_223 : vector<16xi32>
    %lt3A_225 = arith.constant 0 : i32
    %lt3A_226 = arith.cmpi slt, %select_n3A_217, %lt3A_225 : i32
    %ne3A_227 = vector.broadcast %lt3A_226 : i1 to vector<16xi1>
    %ne3A_228 = vector.broadcast %ne3A_227 : vector<16xi1> to vector<16xi1>
    %ne3A_229 = arith.xori %lt3A_224, %ne3A_228 : vector<16xi1>
    %and3A_230 = arith.andi %ne3A_229, %ne3A_222 : vector<16xi1>
    %add3A_231 = vector.broadcast %select_n3A_217 : i32 to vector<16xi32>
    %add3A_232 = arith.addi %rem3A_219, %add3A_231 : vector<16xi32>
    %select_n3A_233 = arith.select %and3A_230, %add3A_232, %rem3A_219 : vector<16xi1>, vector<16xi32>
    %add3A_234 = arith.constant 16 : i32
    %add3A_235 = vector.broadcast %add3A_234 : i32 to vector<16xi32>
    %add3A_236 = arith.addi %add3A_235, %iota3A : vector<16xi32>
    %jit3A_237 = arith.constant 8 : i32
    %eq3A_238 = arith.constant 0 : i32
    %eq3A_239 = arith.cmpi eq, %jit3A_237, %eq3A_238 : i32
    %jit3A_240 = arith.constant 1 : i32
    %select_n3A_241 = arith.select %eq3A_239, %jit3A_240, %jit3A_237 : i32
    %rem3A_242 = vector.broadcast %select_n3A_241 : i32 to vector<16xi32>
    %rem3A_243 = arith.remsi %add3A_236, %rem3A_242 : vector<16xi32>
    %ne3A_244 = arith.constant 0 : i32
    %ne3A_245 = vector.broadcast %ne3A_244 : i32 to vector<16xi32>
    %ne3A_246 = arith.cmpi ne, %rem3A_243, %ne3A_245 : vector<16xi32>
    %lt3A_247 = arith.constant 0 : i32
    %lt3A_248 = vector.broadcast %lt3A_247 : i32 to vector<16xi32>
    %lt3A_249 = arith.cmpi slt, %rem3A_243, %lt3A_248 : vector<16xi32>
    %lt3A_250 = arith.constant 0 : i32
    %lt3A_251 = arith.cmpi slt, %select_n3A_241, %lt3A_250 : i32
    %ne3A_252 = vector.broadcast %lt3A_251 : i1 to vector<16xi1>
    %ne3A_253 = vector.broadcast %ne3A_252 : vector<16xi1> to vector<16xi1>
    %ne3A_254 = arith.xori %lt3A_249, %ne3A_253 : vector<16xi1>
    %and3A_255 = arith.andi %ne3A_254, %ne3A_246 : vector<16xi1>
    %add3A_256 = vector.broadcast %select_n3A_241 : i32 to vector<16xi32>
    %add3A_257 = arith.addi %rem3A_243, %add3A_256 : vector<16xi32>
    %select_n3A_258 = arith.select %and3A_255, %add3A_257, %rem3A_243 : vector<16xi1>, vector<16xi32>
    %add3A_259 = arith.constant 32 : i32
    %add3A_260 = vector.broadcast %add3A_259 : i32 to vector<16xi32>
    %add3A_261 = arith.addi %add3A_260, %iota3A : vector<16xi32>
    %jit3A_262 = arith.constant 8 : i32
    %eq3A_263 = arith.constant 0 : i32
    %eq3A_264 = arith.cmpi eq, %jit3A_262, %eq3A_263 : i32
    %jit3A_265 = arith.constant 1 : i32
    %select_n3A_266 = arith.select %eq3A_264, %jit3A_265, %jit3A_262 : i32
    %rem3A_267 = vector.broadcast %select_n3A_266 : i32 to vector<16xi32>
    %rem3A_268 = arith.remsi %add3A_261, %rem3A_267 : vector<16xi32>
    %ne3A_269 = arith.constant 0 : i32
    %ne3A_270 = vector.broadcast %ne3A_269 : i32 to vector<16xi32>
    %ne3A_271 = arith.cmpi ne, %rem3A_268, %ne3A_270 : vector<16xi32>
    %lt3A_272 = arith.constant 0 : i32
    %lt3A_273 = vector.broadcast %lt3A_272 : i32 to vector<16xi32>
    %lt3A_274 = arith.cmpi slt, %rem3A_268, %lt3A_273 : vector<16xi32>
    %lt3A_275 = arith.constant 0 : i32
    %lt3A_276 = arith.cmpi slt, %select_n3A_266, %lt3A_275 : i32
    %ne3A_277 = vector.broadcast %lt3A_276 : i1 to vector<16xi1>
    %ne3A_278 = vector.broadcast %ne3A_277 : vector<16xi1> to vector<16xi1>
    %ne3A_279 = arith.xori %lt3A_274, %ne3A_278 : vector<16xi1>
    %and3A_280 = arith.andi %ne3A_279, %ne3A_271 : vector<16xi1>
    %add3A_281 = vector.broadcast %select_n3A_266 : i32 to vector<16xi32>
    %add3A_282 = arith.addi %rem3A_268, %add3A_281 : vector<16xi32>
    %select_n3A_283 = arith.select %and3A_280, %add3A_282, %rem3A_268 : vector<16xi1>, vector<16xi32>
    %add3A_284 = arith.constant 48 : i32
    %add3A_285 = vector.broadcast %add3A_284 : i32 to vector<16xi32>
    %add3A_286 = arith.addi %add3A_285, %iota3A : vector<16xi32>
    %jit3A_287 = arith.constant 8 : i32
    %eq3A_288 = arith.constant 0 : i32
    %eq3A_289 = arith.cmpi eq, %jit3A_287, %eq3A_288 : i32
    %jit3A_290 = arith.constant 1 : i32
    %select_n3A_291 = arith.select %eq3A_289, %jit3A_290, %jit3A_287 : i32
    %rem3A_292 = vector.broadcast %select_n3A_291 : i32 to vector<16xi32>
    %rem3A_293 = arith.remsi %add3A_286, %rem3A_292 : vector<16xi32>
    %ne3A_294 = arith.constant 0 : i32
    %ne3A_295 = vector.broadcast %ne3A_294 : i32 to vector<16xi32>
    %ne3A_296 = arith.cmpi ne, %rem3A_293, %ne3A_295 : vector<16xi32>
    %lt3A_297 = arith.constant 0 : i32
    %lt3A_298 = vector.broadcast %lt3A_297 : i32 to vector<16xi32>
    %lt3A_299 = arith.cmpi slt, %rem3A_293, %lt3A_298 : vector<16xi32>
    %lt3A_300 = arith.constant 0 : i32
    %lt3A_301 = arith.cmpi slt, %select_n3A_291, %lt3A_300 : i32
    %ne3A_302 = vector.broadcast %lt3A_301 : i1 to vector<16xi1>
    %ne3A_303 = vector.broadcast %ne3A_302 : vector<16xi1> to vector<16xi1>
    %ne3A_304 = arith.xori %lt3A_299, %ne3A_303 : vector<16xi1>
    %and3A_305 = arith.andi %ne3A_304, %ne3A_296 : vector<16xi1>
    %add3A_306 = vector.broadcast %select_n3A_291 : i32 to vector<16xi32>
    %add3A_307 = arith.addi %rem3A_293, %add3A_306 : vector<16xi32>
    %select_n3A_308 = arith.select %and3A_305, %add3A_307, %rem3A_293 : vector<16xi1>, vector<16xi32>
    %parallel_loop3A = arith.constant 0 : i32
    %parallel_loop3A_309 = arith.constant 512 : i32
    %parallel_loop3A_310 = arith.constant 1 : i32
    scf.for %parallel_loop3A_327 = %parallel_loop3A to %parallel_loop3A_309 step %parallel_loop3A_310  : i32 {
      %parallel_loop3A_328 = arith.constant 0 : i32
      %parallel_loop3A_329 = vector.broadcast %parallel_loop3A_328 : i32 to vector<16xi32>
      %parallel_loop3A_330 = vector.broadcast %parallel_loop3A_327 : i32 to vector<16xi32>
      %parallel_loop3A_331 = arith.addi %parallel_loop3A_329, %parallel_loop3A_330 : vector<16xi32>
      %parallel_loop3A_332 = arith.index_cast %parallel_loop3A_327 : i32 to index
      %parallel_loop3A_333 = arith.constant 0 : index
      %parallel_loop3A_334 = tpu.vector_load %arg6[%parallel_loop3A_332, %parallel_loop3A_333] {strides = array<i32>} : memref<512x64xf32, #tpu.memory_space<vmem>>, vector<16xf32>,
      tpu.vector_store_idx %arg7[%select_n3A, %select_n3A_233, %parallel_loop3A_331], %parallel_loop3A_334 : memref<8x8x513xf32, #tpu.memory_space<vmem>>[vector<16xi32>, vector<16xi32>, vector<16xi32>], vector<16xf32>,
      %parallel_loop3A_335 = arith.index_cast %parallel_loop3A_327 : i32 to index
      %parallel_loop3A_336 = arith.constant 16 : index
      %parallel_loop3A_337 = tpu.vector_load %arg6[%parallel_loop3A_335, %parallel_loop3A_336] {strides = array<i32>} : memref<512x64xf32, #tpu.memory_space<vmem>>, vector<16xf32>,
      tpu.vector_store_idx %arg7[%select_n3A_142, %select_n3A_258, %parallel_loop3A_331], %parallel_loop3A_337 : memref<8x8x513xf32, #tpu.memory_space<vmem>>[vector<16xi32>, vector<16xi32>, vector<16xi32>], vector<16xf32>,
      %parallel_loop3A_338 = arith.index_cast %parallel_loop3A_327 : i32 to index
      %parallel_loop3A_339 = arith.constant 32 : index
      %parallel_loop3A_340 = tpu.vector_load %arg6[%parallel_loop3A_338, %parallel_loop3A_339] {strides = array<i32>} : memref<512x64xf32, #tpu.memory_space<vmem>>, vector<16xf32>,
      tpu.vector_store_idx %arg7[%select_n3A_176, %select_n3A_283, %parallel_loop3A_331], %parallel_loop3A_340 : memref<8x8x513xf32, #tpu.memory_space<vmem>>[vector<16xi32>, vector<16xi32>, vector<16xi32>], vector<16xf32>,
      %parallel_loop3A_341 = arith.index_cast %parallel_loop3A_327 : i32 to index
      %parallel_loop3A_342 = arith.constant 48 : index
      %parallel_loop3A_343 = tpu.vector_load %arg6[%parallel_loop3A_341, %parallel_loop3A_342] {strides = array<i32>} : memref<512x64xf32, #tpu.memory_space<vmem>>, vector<16xf32>,
      tpu.vector_store_idx %arg7[%select_n3A_210, %select_n3A_308, %parallel_loop3A_331], %parallel_loop3A_343 : memref<8x8x513xf32, #tpu.memory_space<vmem>>[vector<16xi32>, vector<16xi32>, vector<16xi32>], vector<16xf32>,
    } {sc.loop_unroll_factor = 1 : i64, sc.parallel_access}
    %mul3A_311 = arith.constant 4 : i32
    %mul3A_312 = arith.muli %add3A, %mul3A_311 : i32
    %add3A_313 = arith.constant 0 : i32
    %add3A_314 = arith.addi %mul3A_312, %add3A_313 : i32
    "tpu.region"() ({
      %run_scoped3A = tpu.sem_alloc : memref<!tpu.dma_semaphore, #tpu.memory_space<semaphore_mem>>
      %dma_start3A_327 = arith.constant 0 : i32
      %dma_start3A_328 = arith.constant 0 : i32
      %dma_start3A_329 = arith.constant 0 : i32
      %dma_start3A_330 = tpu.memref_slice %arg7[%dma_start3A_327, %dma_start3A_328, %dma_start3A_329] : memref<8x8x513xf32, #tpu.memory_space<vmem>> -> memref<8x8x128xf32, #tpu.memory_space<vmem>>
      %dma_start3A_331 = arith.constant 0 : i32
      %dma_start3A_332 = arith.constant 0 : i32
      %dma_start3A_333 = arith.constant 0 : i32
      %dma_start3A_334 = tpu.memref_slice %arg4[%dma_start3A_331, %add3A_314, %dma_start3A_332, %dma_start3A_333] : memref<8x128x8x128xf32, #tpu.memory_space<hbm>> -> memref<8x1x8x128xf32, #tpu.memory_space<hbm>>
      %dma_start3A_335 = tpu.memref_squeeze %dma_start3A_334 : memref<8x1x8x128xf32, #tpu.memory_space<hbm>> -> memref<8x8x128xf32, #tpu.memory_space<hbm>>
      %dma_start3A_336 = arith.constant 0 : i32
      %dma_start3A_337 = arith.constant 0 : i32
      %dma_start3A_338 = arith.constant 0 : i32
      %dma_start3A_339 = tpu.memref_slice %arg4[%dma_start3A_336, %add3A_314, %dma_start3A_337, %dma_start3A_338] : memref<8x128x8x128xf32, #tpu.memory_space<hbm>> -> memref<8x1x8x128xf32, #tpu.memory_space<hbm>>
      %dma_start3A_340 = tpu.memref_squeeze %dma_start3A_339 : memref<8x1x8x128xf32, #tpu.memory_space<hbm>> -> memref<8x8x128xf32, #tpu.memory_space<hbm>>
      %dma_start3A_341 = arith.constant 0 : i32
      %dma_start3A_342 = arith.constant 0 : i32
      %dma_start3A_343 = arith.constant 0 : i32
      %dma_start3A_344 = tpu.memref_slice %arg7[%dma_start3A_341, %dma_start3A_342, %dma_start3A_343] : memref<8x8x513xf32, #tpu.memory_space<vmem>> -> memref<8x8x128xf32, #tpu.memory_space<vmem>>
      tpu.enqueue_dma source(%dma_start3A_344 : memref<8x8x128xf32, #tpu.memory_space<vmem>>) target(%dma_start3A_340 : memref<8x8x128xf32, #tpu.memory_space<hbm>>) target_semaphore(%run_scoped3A : memref<!tpu.dma_semaphore, #tpu.memory_space<semaphore_mem>>)
      %dma_wait3A_345 = arith.constant 0 : i32
      %dma_wait3A_346 = arith.constant 0 : i32
      %dma_wait3A_347 = arith.constant 0 : i32
      %dma_wait3A_348 = tpu.memref_slice %arg7[%dma_wait3A_345, %dma_wait3A_346, %dma_wait3A_347] : memref<8x8x513xf32, #tpu.memory_space<vmem>> -> memref<8x8x128xf32, #tpu.memory_space<vmem>>
      %dma_wait3A_349 = arith.constant 0 : i32
      %dma_wait3A_350 = arith.constant 0 : i32
      %dma_wait3A_351 = arith.constant 0 : i32
      %dma_wait3A_352 = tpu.memref_slice %arg4[%dma_wait3A_349, %add3A_314, %dma_wait3A_350, %dma_wait3A_351] : memref<8x128x8x128xf32, #tpu.memory_space<hbm>> -> memref<8x1x8x128xf32, #tpu.memory_space<hbm>>
      %dma_wait3A_353 = tpu.memref_squeeze %dma_wait3A_352 : memref<8x1x8x128xf32, #tpu.memory_space<hbm>> -> memref<8x8x128xf32, #tpu.memory_space<hbm>>
      %dma_wait3A_354 = arith.constant 0 : i32
      %dma_wait3A_355 = arith.constant 0 : i32
      %dma_wait3A_356 = arith.constant 0 : i32
      %dma_wait3A_357 = tpu.memref_slice %arg4[%dma_wait3A_354, %add3A_314, %dma_wait3A_355, %dma_wait3A_356] : memref<8x128x8x128xf32, #tpu.memory_space<hbm>> -> memref<8x1x8x128xf32, #tpu.memory_space<hbm>>
      %dma_wait3A_358 = tpu.memref_squeeze %dma_wait3A_357 : memref<8x1x8x128xf32, #tpu.memory_space<hbm>> -> memref<8x8x128xf32, #tpu.memory_space<hbm>>
      %dma_wait3A_359 = arith.constant 0 : i32
      %dma_wait3A_360 = arith.constant 0 : i32
      %dma_wait3A_361 = arith.constant 0 : i32
      %dma_wait3A_362 = tpu.memref_slice %arg7[%dma_wait3A_359, %dma_wait3A_360, %dma_wait3A_361] : memref<8x8x513xf32, #tpu.memory_space<vmem>> -> memref<8x8x128xf32, #tpu.memory_space<vmem>>
      tpu.wait_dma2 semaphore(%run_scoped3A : memref<!tpu.dma_semaphore, #tpu.memory_space<semaphore_mem>>) src(%dma_wait3A_362 : memref<8x8x128xf32, #tpu.memory_space<vmem>>) dst(%dma_wait3A_358 : memref<8x8x128xf32, #tpu.memory_space<hbm>>)
      tpu.yield
    }) : () -> ()
    %mul3A_315 = arith.constant 4 : i32
    %mul3A_316 = arith.muli %add3A, %mul3A_315 : i32
    %add3A_317 = arith.constant 1 : i32
    %add3A_318 = arith.addi %mul3A_316, %add3A_317 : i32
    "tpu.region"() ({
      %run_scoped3A = tpu.sem_alloc : memref<!tpu.dma_semaphore, #tpu.memory_space<semaphore_mem>>
      %dma_start3A_327 = arith.constant 0 : i32
      %dma_start3A_328 = arith.constant 0 : i32
      %dma_start3A_329 = arith.constant 128 : i32
      %dma_start3A_330 = tpu.memref_slice %arg7[%dma_start3A_327, %dma_start3A_328, %dma_start3A_329] : memref<8x8x513xf32, #tpu.memory_space<vmem>> -> memref<8x8x128xf32, #tpu.memory_space<vmem>>
      %dma_start3A_331 = arith.constant 0 : i32
      %dma_start3A_332 = arith.constant 0 : i32
      %dma_start3A_333 = arith.constant 0 : i32
      %dma_start3A_334 = tpu.memref_slice %arg4[%dma_start3A_331, %add3A_318, %dma_start3A_332, %dma_start3A_333] : memref<8x128x8x128xf32, #tpu.memory_space<hbm>> -> memref<8x1x8x128xf32, #tpu.memory_space<hbm>>
      %dma_start3A_335 = tpu.memref_squeeze %dma_start3A_334 : memref<8x1x8x128xf32, #tpu.memory_space<hbm>> -> memref<8x8x128xf32, #tpu.memory_space<hbm>>
      %dma_start3A_336 = arith.constant 0 : i32
      %dma_start3A_337 = arith.constant 0 : i32
      %dma_start3A_338 = arith.constant 0 : i32
      %dma_start3A_339 = tpu.memref_slice %arg4[%dma_start3A_336, %add3A_318, %dma_start3A_337, %dma_start3A_338] : memref<8x128x8x128xf32, #tpu.memory_space<hbm>> -> memref<8x1x8x128xf32, #tpu.memory_space<hbm>>
      %dma_start3A_340 = tpu.memref_squeeze %dma_start3A_339 : memref<8x1x8x128xf32, #tpu.memory_space<hbm>> -> memref<8x8x128xf32, #tpu.memory_space<hbm>>
      %dma_start3A_341 = arith.constant 0 : i32
      %dma_start3A_342 = arith.constant 0 : i32
      %dma_start3A_343 = arith.constant 128 : i32
      %dma_start3A_344 = tpu.memref_slice %arg7[%dma_start3A_341, %dma_start3A_342, %dma_start3A_343] : memref<8x8x513xf32, #tpu.memory_space<vmem>> -> memref<8x8x128xf32, #tpu.memory_space<vmem>>
      tpu.enqueue_dma source(%dma_start3A_344 : memref<8x8x128xf32, #tpu.memory_space<vmem>>) target(%dma_start3A_340 : memref<8x8x128xf32, #tpu.memory_space<hbm>>) target_semaphore(%run_scoped3A : memref<!tpu.dma_semaphore, #tpu.memory_space<semaphore_mem>>)
      %dma_wait3A_345 = arith.constant 0 : i32
      %dma_wait3A_346 = arith.constant 0 : i32
      %dma_wait3A_347 = arith.constant 128 : i32
      %dma_wait3A_348 = tpu.memref_slice %arg7[%dma_wait3A_345, %dma_wait3A_346, %dma_wait3A_347] : memref<8x8x513xf32, #tpu.memory_space<vmem>> -> memref<8x8x128xf32, #tpu.memory_space<vmem>>
      %dma_wait3A_349 = arith.constant 0 : i32
      %dma_wait3A_350 = arith.constant 0 : i32
      %dma_wait3A_351 = arith.constant 0 : i32
      %dma_wait3A_352 = tpu.memref_slice %arg4[%dma_wait3A_349, %add3A_318, %dma_wait3A_350, %dma_wait3A_351] : memref<8x128x8x128xf32, #tpu.memory_space<hbm>> -> memref<8x1x8x128xf32, #tpu.memory_space<hbm>>
      %dma_wait3A_353 = tpu.memref_squeeze %dma_wait3A_352 : memref<8x1x8x128xf32, #tpu.memory_space<hbm>> -> memref<8x8x128xf32, #tpu.memory_space<hbm>>
      %dma_wait3A_354 = arith.constant 0 : i32
      %dma_wait3A_355 = arith.constant 0 : i32
      %dma_wait3A_356 = arith.constant 0 : i32
      %dma_wait3A_357 = tpu.memref_slice %arg4[%dma_wait3A_354, %add3A_318, %dma_wait3A_355, %dma_wait3A_356] : memref<8x128x8x128xf32, #tpu.memory_space<hbm>> -> memref<8x1x8x128xf32, #tpu.memory_space<hbm>>
      %dma_wait3A_358 = tpu.memref_squeeze %dma_wait3A_357 : memref<8x1x8x128xf32, #tpu.memory_space<hbm>> -> memref<8x8x128xf32, #tpu.memory_space<hbm>>
      %dma_wait3A_359 = arith.constant 0 : i32
      %dma_wait3A_360 = arith.constant 0 : i32
      %dma_wait3A_361 = arith.constant 128 : i32
      %dma_wait3A_362 = tpu.memref_slice %arg7[%dma_wait3A_359, %dma_wait3A_360, %dma_wait3A_361] : memref<8x8x513xf32, #tpu.memory_space<vmem>> -> memref<8x8x128xf32, #tpu.memory_space<vmem>>
      tpu.wait_dma2 semaphore(%run_scoped3A : memref<!tpu.dma_semaphore, #tpu.memory_space<semaphore_mem>>) src(%dma_wait3A_362 : memref<8x8x128xf32, #tpu.memory_space<vmem>>) dst(%dma_wait3A_358 : memref<8x8x128xf32, #tpu.memory_space<hbm>>)
      tpu.yield
    }) : () -> ()
    %mul3A_319 = arith.constant 4 : i32
    %mul3A_320 = arith.muli %add3A, %mul3A_319 : i32
    %add3A_321 = arith.constant 2 : i32
    %add3A_322 = arith.addi %mul3A_320, %add3A_321 : i32
    "tpu.region"() ({
      %run_scoped3A = tpu.sem_alloc : memref<!tpu.dma_semaphore, #tpu.memory_space<semaphore_mem>>
      %dma_start3A_327 = arith.constant 0 : i32
      %dma_start3A_328 = arith.constant 0 : i32
      %dma_start3A_329 = arith.constant 256 : i32
      %dma_start3A_330 = tpu.memref_slice %arg7[%dma_start3A_327, %dma_start3A_328, %dma_start3A_329] : memref<8x8x513xf32, #tpu.memory_space<vmem>> -> memref<8x8x128xf32, #tpu.memory_space<vmem>>
      %dma_start3A_331 = arith.constant 0 : i32
      %dma_start3A_332 = arith.constant 0 : i32
      %dma_start3A_333 = arith.constant 0 : i32
      %dma_start3A_334 = tpu.memref_slice %arg4[%dma_start3A_331, %add3A_322, %dma_start3A_332, %dma_start3A_333] : memref<8x128x8x128xf32, #tpu.memory_space<hbm>> -> memref<8x1x8x128xf32, #tpu.memory_space<hbm>>
      %dma_start3A_335 = tpu.memref_squeeze %dma_start3A_334 : memref<8x1x8x128xf32, #tpu.memory_space<hbm>> -> memref<8x8x128xf32, #tpu.memory_space<hbm>>
      %dma_start3A_336 = arith.constant 0 : i32
      %dma_start3A_337 = arith.constant 0 : i32
      %dma_start3A_338 = arith.constant 0 : i32
      %dma_start3A_339 = tpu.memref_slice %arg4[%dma_start3A_336, %add3A_322, %dma_start3A_337, %dma_start3A_338] : memref<8x128x8x128xf32, #tpu.memory_space<hbm>> -> memref<8x1x8x128xf32, #tpu.memory_space<hbm>>
      %dma_start3A_340 = tpu.memref_squeeze %dma_start3A_339 : memref<8x1x8x128xf32, #tpu.memory_space<hbm>> -> memref<8x8x128xf32, #tpu.memory_space<hbm>>
      %dma_start3A_341 = arith.constant 0 : i32
      %dma_start3A_342 = arith.constant 0 : i32
      %dma_start3A_343 = arith.constant 256 : i32
      %dma_start3A_344 = tpu.memref_slice %arg7[%dma_start3A_341, %dma_start3A_342, %dma_start3A_343] : memref<8x8x513xf32, #tpu.memory_space<vmem>> -> memref<8x8x128xf32, #tpu.memory_space<vmem>>
      tpu.enqueue_dma source(%dma_start3A_344 : memref<8x8x128xf32, #tpu.memory_space<vmem>>) target(%dma_start3A_340 : memref<8x8x128xf32, #tpu.memory_space<hbm>>) target_semaphore(%run_scoped3A : memref<!tpu.dma_semaphore, #tpu.memory_space<semaphore_mem>>)
      %dma_wait3A_345 = arith.constant 0 : i32
      %dma_wait3A_346 = arith.constant 0 : i32
      %dma_wait3A_347 = arith.constant 256 : i32
      %dma_wait3A_348 = tpu.memref_slice %arg7[%dma_wait3A_345, %dma_wait3A_346, %dma_wait3A_347] : memref<8x8x513xf32, #tpu.memory_space<vmem>> -> memref<8x8x128xf32, #tpu.memory_space<vmem>>
      %dma_wait3A_349 = arith.constant 0 : i32
      %dma_wait3A_350 = arith.constant 0 : i32
      %dma_wait3A_351 = arith.constant 0 : i32
      %dma_wait3A_352 = tpu.memref_slice %arg4[%dma_wait3A_349, %add3A_322, %dma_wait3A_350, %dma_wait3A_351] : memref<8x128x8x128xf32, #tpu.memory_space<hbm>> -> memref<8x1x8x128xf32, #tpu.memory_space<hbm>>
      %dma_wait3A_353 = tpu.memref_squeeze %dma_wait3A_352 : memref<8x1x8x128xf32, #tpu.memory_space<hbm>> -> memref<8x8x128xf32, #tpu.memory_space<hbm>>
      %dma_wait3A_354 = arith.constant 0 : i32
      %dma_wait3A_355 = arith.constant 0 : i32
      %dma_wait3A_356 = arith.constant 0 : i32
      %dma_wait3A_357 = tpu.memref_slice %arg4[%dma_wait3A_354, %add3A_322, %dma_wait3A_355, %dma_wait3A_356] : memref<8x128x8x128xf32, #tpu.memory_space<hbm>> -> memref<8x1x8x128xf32, #tpu.memory_space<hbm>>
      %dma_wait3A_358 = tpu.memref_squeeze %dma_wait3A_357 : memref<8x1x8x128xf32, #tpu.memory_space<hbm>> -> memref<8x8x128xf32, #tpu.memory_space<hbm>>
      %dma_wait3A_359 = arith.constant 0 : i32
      %dma_wait3A_360 = arith.constant 0 : i32
      %dma_wait3A_361 = arith.constant 256 : i32
      %dma_wait3A_362 = tpu.memref_slice %arg7[%dma_wait3A_359, %dma_wait3A_360, %dma_wait3A_361] : memref<8x8x513xf32, #tpu.memory_space<vmem>> -> memref<8x8x128xf32, #tpu.memory_space<vmem>>
      tpu.wait_dma2 semaphore(%run_scoped3A : memref<!tpu.dma_semaphore, #tpu.memory_space<semaphore_mem>>) src(%dma_wait3A_362 : memref<8x8x128xf32, #tpu.memory_space<vmem>>) dst(%dma_wait3A_358 : memref<8x8x128xf32, #tpu.memory_space<hbm>>)
      tpu.yield
    }) : () -> ()
    %mul3A_323 = arith.constant 4 : i32
    %mul3A_324 = arith.muli %add3A, %mul3A_323 : i32
    %add3A_325 = arith.constant 3 : i32
    %add3A_326 = arith.addi %mul3A_324, %add3A_325 : i32
    "tpu.region"() ({
      %run_scoped3A = tpu.sem_alloc : memref<!tpu.dma_semaphore, #tpu.memory_space<semaphore_mem>>
      %dma_start3A_327 = arith.constant 0 : i32
      %dma_start3A_328 = arith.constant 0 : i32
      %dma_start3A_329 = arith.constant 384 : i32
      %dma_start3A_330 = tpu.memref_slice %arg7[%dma_start3A_327, %dma_start3A_328, %dma_start3A_329] : memref<8x8x513xf32, #tpu.memory_space<vmem>> -> memref<8x8x128xf32, #tpu.memory_space<vmem>>
      %dma_start3A_331 = arith.constant 0 : i32
      %dma_start3A_332 = arith.constant 0 : i32
      %dma_start3A_333 = arith.constant 0 : i32
      %dma_start3A_334 = tpu.memref_slice %arg4[%dma_start3A_331, %add3A_326, %dma_start3A_332, %dma_start3A_333] : memref<8x128x8x128xf32, #tpu.memory_space<hbm>> -> memref<8x1x8x128xf32, #tpu.memory_space<hbm>>
      %dma_start3A_335 = tpu.memref_squeeze %dma_start3A_334 : memref<8x1x8x128xf32, #tpu.memory_space<hbm>> -> memref<8x8x128xf32, #tpu.memory_space<hbm>>
      %dma_start3A_336 = arith.constant 0 : i32
      %dma_start3A_337 = arith.constant 0 : i32
      %dma_start3A_338 = arith.constant 0 : i32
      %dma_start3A_339 = tpu.memref_slice %arg4[%dma_start3A_336, %add3A_326, %dma_start3A_337, %dma_start3A_338] : memref<8x128x8x128xf32, #tpu.memory_space<hbm>> -> memref<8x1x8x128xf32, #tpu.memory_space<hbm>>
      %dma_start3A_340 = tpu.memref_squeeze %dma_start3A_339 : memref<8x1x8x128xf32, #tpu.memory_space<hbm>> -> memref<8x8x128xf32, #tpu.memory_space<hbm>>
      %dma_start3A_341 = arith.constant 0 : i32
      %dma_start3A_342 = arith.constant 0 : i32
      %dma_start3A_343 = arith.constant 384 : i32
      %dma_start3A_344 = tpu.memref_slice %arg7[%dma_start3A_341, %dma_start3A_342, %dma_start3A_343] : memref<8x8x513xf32, #tpu.memory_space<vmem>> -> memref<8x8x128xf32, #tpu.memory_space<vmem>>
      tpu.enqueue_dma source(%dma_start3A_344 : memref<8x8x128xf32, #tpu.memory_space<vmem>>) target(%dma_start3A_340 : memref<8x8x128xf32, #tpu.memory_space<hbm>>) target_semaphore(%run_scoped3A : memref<!tpu.dma_semaphore, #tpu.memory_space<semaphore_mem>>)
      %dma_wait3A_345 = arith.constant 0 : i32
      %dma_wait3A_346 = arith.constant 0 : i32
      %dma_wait3A_347 = arith.constant 384 : i32
      %dma_wait3A_348 = tpu.memref_slice %arg7[%dma_wait3A_345, %dma_wait3A_346, %dma_wait3A_347] : memref<8x8x513xf32, #tpu.memory_space<vmem>> -> memref<8x8x128xf32, #tpu.memory_space<vmem>>
      %dma_wait3A_349 = arith.constant 0 : i32
      %dma_wait3A_350 = arith.constant 0 : i32
      %dma_wait3A_351 = arith.constant 0 : i32
      %dma_wait3A_352 = tpu.memref_slice %arg4[%dma_wait3A_349, %add3A_326, %dma_wait3A_350, %dma_wait3A_351] : memref<8x128x8x128xf32, #tpu.memory_space<hbm>> -> memref<8x1x8x128xf32, #tpu.memory_space<hbm>>
      %dma_wait3A_353 = tpu.memref_squeeze %dma_wait3A_352 : memref<8x1x8x128xf32, #tpu.memory_space<hbm>> -> memref<8x8x128xf32, #tpu.memory_space<hbm>>
      %dma_wait3A_354 = arith.constant 0 : i32
      %dma_wait3A_355 = arith.constant 0 : i32
      %dma_wait3A_356 = arith.constant 0 : i32
      %dma_wait3A_357 = tpu.memref_slice %arg4[%dma_wait3A_354, %add3A_326, %dma_wait3A_355, %dma_wait3A_356] : memref<8x128x8x128xf32, #tpu.memory_space<hbm>> -> memref<8x1x8x128xf32, #tpu.memory_space<hbm>>
      %dma_wait3A_358 = tpu.memref_squeeze %dma_wait3A_357 : memref<8x1x8x128xf32, #tpu.memory_space<hbm>> -> memref<8x8x128xf32, #tpu.memory_space<hbm>>
      %dma_wait3A_359 = arith.constant 0 : i32
      %dma_wait3A_360 = arith.constant 0 : i32
      %dma_wait3A_361 = arith.constant 384 : i32
      %dma_wait3A_362 = tpu.memref_slice %arg7[%dma_wait3A_359, %dma_wait3A_360, %dma_wait3A_361] : memref<8x8x513xf32, #tpu.memory_space<vmem>> -> memref<8x8x128xf32, #tpu.memory_space<vmem>>
      tpu.wait_dma2 semaphore(%run_scoped3A : memref<!tpu.dma_semaphore, #tpu.memory_space<semaphore_mem>>) src(%dma_wait3A_362 : memref<8x8x128xf32, #tpu.memory_space<vmem>>) dst(%dma_wait3A_358 : memref<8x8x128xf32, #tpu.memory_space<hbm>>)
      tpu.yield
    }) : () -> ()
    return
  }
}

module attributes {stable_mosaic.version = 14 : i64} {
  func.func @_project_body(%arg0: memref<1000x512xf32, #tpu.memory_space<vmem>>, %arg1: memref<512x64xf32, #tpu.memory_space<vmem>>, %arg2: memref<1x64xf32, #tpu.memory_space<vmem>>, %arg3: memref<1000x64xf32, #tpu.memory_space<vmem>>) attributes {dimension_semantics = [], scalar_prefetch = 0 : i64, scratch_operands = 0 : i64, tpu.core_type = #tpu.core_type<tc>} {
    %get3A = arith.constant 0 : index
    %get3A_0 = arith.constant 0 : index
    %get3A_1 = vector.load %arg0[%get3A, %get3A_0] : memref<1000x512xf32, #tpu.memory_space<vmem>>, vector<1000x512xf32>
    %get3A_2 = arith.constant 0 : index
    %get3A_3 = arith.constant 0 : index
    %get3A_4 = vector.load %arg1[%get3A_2, %get3A_3] : memref<512x64xf32, #tpu.memory_space<vmem>>, vector<512x64xf32>
    %dot_general3A = arith.constant dense<0.000000e+00> : vector<1000x64xf32>
    %dot_general3A_5 = tpu.matmul %get3A_1, %get3A_4, %dot_general3A {dimension_numbers = #tpu.dot_dimension_numbers<[1], [0], [0], [1], [0, 0, 1, 1], [], []>, transpose_lhs_hint = false} : vector<1000x512xf32>, vector<512x64xf32>, vector<1000x64xf32> -> vector<1000x64xf32>
    %get3A_6 = arith.constant 0 : index
    %get3A_7 = arith.constant 0 : index
    %get3A_8 = vector.load %arg2[%get3A_6, %get3A_7] : memref<1x64xf32, #tpu.memory_space<vmem>>, vector<1x64xf32>
    %add3A = vector.broadcast %get3A_8 : vector<1x64xf32> to vector<1000x64xf32>
    %add3A_9 = arith.addf %dot_general3A_5, %add3A : vector<1000x64xf32>
    %max3A = arith.constant 0.000000e+00 : f32
    %max3A_10 = vector.broadcast %max3A : f32 to vector<1000x64xf32>
    %max3A_11 = arith.maximumf %add3A_9, %max3A_10 : vector<1000x64xf32>
    %swap3A = arith.constant 0 : index
    %swap3A_12 = arith.constant 0 : index
    %swap3A_13 = vector.load %arg3[%swap3A, %swap3A_12] : memref<1000x64xf32, #tpu.memory_space<vmem>>, vector<1000x64xf32>
    tpu.vector_store %arg3[%swap3A, %swap3A_12], %max3A_11 {strides = array<i32>} : memref<1000x64xf32, #tpu.memory_space<vmem>>, vector<1000x64xf32>,
    return
  }
}

</mosaic_0001>

<sc_bundles>
// kernel: kernel.4.cloned.1.call-start
scs
__scs_entry_jumppad:
0x0: {  	(pc) =	sbr.rel $0x88, $3  }
0x1: {  	(tag) =	ssettag $0x0;
	lr =	simm.s32 $0x1  }
0x2: {  	[smem:$0x3F9D] =	sst lr;
	_ =	strace $0xD0000000  }
0x3: {  	_ = 	snop  }
0x4: {  	_ = 	snop  }
0x5: {  	_ = 	snop  }
0x6: {  	_ = 	snop  }
0x7: {  	_ = 	snop  }
__scs_overlays_trampoline_lowered:
0x8: {  	[smem:$0x3FAC] =	sst s0  }
0x9: {  	[smem:$0x3FAD] =	sst s1  }
0xa: {  	[smem:$0x3FAE] =	sst s2  }
0xb: {  	[smem:$0x3FAF] =	sst s3  }
0xc: {  	[smem:$0x3FB0] =	sst s4  }
0xd: {  	[smem:$0x3FB1] =	sst s5  }
0xe: {  	[smem:$0x3FB2] =	sst s6  }
0xf: {  	[smem:$0x3FB3] =	sst s7  }
0x10: {  	[smem:$0x3FB4] =	sst s8  }
0x11: {  	[smem:$0x3FB5] =	sst s9;
	s0 =	simm.s32 @!p0 $0x0  }
0x12: {  	s1 =	sld [smem:$0x3F9B];
	s0 =	simm.s32 @p0 $0x1  }
0x13: {  	[smem:$0x3FB6] =	sst s0;
	s0 =	simm.s32 @!p1 $0x0  }
0x14: {  	s2 =	sld [smem:$0x3F9A];
	s0 =	simm.s32 @p1 $0x1  }
0x15: {  	[smem:$0x3FB7] =	sst s0;
	s0 =	simm.s32 @!p2 $0x0  }
0x16: {  	s3 =	sld [smem:$0x3FDB];
	s0 =	simm.s32 @p2 $0x1  }
0x17: {  	s4 =	simm.s32 $0x1BF5;
	[smem:$0x3FB9] =	sst s0  }
0x18: {  	s0 =	sld [smem:$0x3F9C];
	_ =	swait.ge [sflag:s4], $0x0  }
0x19: {  	s7 =	sld [smem:$0x3F9D]  }
0x1a: {  	s8 =	sadd.s32 $0xFFFFE003, lr  }
0x1b: {  	s9 =	sadd.s32 $0xFFFFFEF7, lr;
	s5 =	simm.s32 $0xFFFFFFFF;
	p2 =	slt.u32 s8, $0xFFFFF086  }
0x1c: {  	p1 =	slt.u32 s9, $0xF7A;
	s5 =	simm.s32 @!p2 $0x0  }
0x1d: {  	s5 =	simm.s32 @p1 $0x1;
	p0 =	seq.s32 s7, s2  }
0x1e: {  	s7 =	smul.u32 @!p0 $0xF7A, s2;
	p2 =	seq.s32 @!p0 s5, $0x0  }
0x1f: {  	s9 =	smul.u32 $0xF7A, s1;
	s8 =	simm.s32 @!p0 $0x1BF5;
	p2 =	por !p2, p0  }
0x20: {  	[sflag:s8] =	ssyncset.s32 @!p0 $0xFFFFF086;
	s6 =	sadd.s32 @!p0 s3, s7;
	s7 =	simm.s32 @!p0 $0x108  }
0x21: {  	s3 =	sadd.s32 s3, s9;
	s6 =	sadd.s32 @!p0 $0x88, s6;
	s7 =	simm.s32 @p2 $0x1082  }
0x22: {  	[simem:s7], [sflag:s8] =	dma.local @!p0 [hbm:s6], $0xF7A  }
0x23: {  	s9 =	sor.u32 $0xD0000000, s2;
	s6 =	simm.s32 $0x108;
	_ =	swait.ge @!p0 [sflag:s8], $0x0  }
0x24: {  	s3 =	sadd.s32 $0x88, s3;
	s6 =	simm.s32 @!p1 $0x1082;
	[sflag:s4] =	ssyncset.s32 $0xFFFFF086  }
0x25: {  	[simem:s6], [sflag:s4] =	dma.local [hbm:s3], $0xF7A  }
0x26: {  	[smem:$0x3F9D] =	sst s1;
	(tag) =	ssettag s2;
	_ =	strace s9  }
0x27: {  	s1 =	sld [smem:$0x3FAD]  }
0x28: {  	s2 =	sld [smem:$0x3FAE]  }
0x29: {  	s4 =	sld [smem:$0x3FB0]  }
0x2a: {  	p0 =	seq.s32 s5, $0x0;
	s5 =	sld [smem:$0x3FB1]  }
0x2b: {  	s6 =	sld [smem:$0x3FB2]  }
0x2c: {  	s7 =	sld [smem:$0x3FB3]  }
0x2d: {  	s3 =	simm.s32 $0x108;
	s8 =	sld [smem:$0x3FB4]  }
0x2e: {  	s3 =	simm.s32 @!p0 $0x1082;
	s9 =	sld [smem:$0x3FB5]  }
0x2f: {  	lr =	sadd.s32 s0, s3;
	s0 =	sld [smem:$0x3FAC]  }
0x30: {  	s3 =	sld [smem:$0x3FAF]  }
0x31: {  	[smem:$0x3FB8] =	sst s10  }
0x32: {  	s10 =	sld [smem:$0x3FB6];
	_ =	sdelay $0x3  }
0x33: {  	p0 =	seq.s32 s10, $0x1;
	s10 =	sld [smem:$0x3FB8];
	_ =	sdelay $0x3  }
0x34: {  	[smem:$0x3FB8] =	sst s10  }
0x35: {  	s10 =	sld [smem:$0x3FB7];
	_ =	sdelay $0x3  }
0x36: {  	p1 =	seq.s32 s10, $0x1;
	s10 =	sld [smem:$0x3FB8];
	_ =	sdelay $0x3  }
0x37: {  	[smem:$0x3FB8] =	sst s10  }
0x38: {  	s10 =	sld [smem:$0x3FB9]  }
0x39: {  	_ = 	snop;
	(pc) =	sbr.ind lr, $3  }
0x3a: {  	_ = 	snop  }
0x3b: {  	_ = 	snop  }
0x3c: {  	p2 =	seq.s32 s10, $0x1;
	s10 =	sld [smem:$0x3FB8]  }
0x3d: {  	_ =	shalt  }
0x3e: {  	_ =	shalt  }
0x3f: {  	_ =	shalt  }
0x40: {  	_ =	shalt  }
0x41: {  	_ =	shalt  }
0x42: {  	_ =	shalt  }
0x43: {  	_ =	shalt  }
0x44: {  	_ =	shalt  }
0x45: {  	_ =	shalt  }
0x46: {  	_ =	shalt  }
0x47: {  	_ =	shalt  }
0x48: {  	_ =	shalt  }
0x49: {  	_ =	shalt  }
0x4a: {  	_ =	shalt  }
0x4b: {  	_ =	shalt  }
0x4c: {  	_ =	shalt  }
0x4d: {  	_ =	shalt  }
0x4e: {  	_ =	shalt  }
0x4f: {  	_ =	shalt  }
0x50: {  	_ =	shalt  }
0x51: {  	_ =	shalt  }
0x52: {  	_ =	shalt  }
0x53: {  	_ =	shalt  }
0x54: {  	_ =	shalt  }
0x55: {  	_ =	shalt  }
0x56: {  	_ =	shalt  }
0x57: {  	_ =	shalt  }
0x58: {  	_ =	shalt  }
0x59: {  	_ =	shalt  }
0x5a: {  	_ =	shalt  }
0x5b: {  	_ =	shalt  }
0x5c: {  	_ =	shalt  }
0x5d: {  	_ =	shalt  }
0x5e: {  	_ =	shalt  }
0x5f: {  	_ =	shalt  }
0x60: {  	_ =	shalt  }
0x61: {  	_ =	shalt  }
0x62: {  	_ =	shalt  }
0x63: {  	_ =	shalt  }
0x64: {  	_ =	shalt  }
0x65: {  	_ =	shalt  }
0x66: {  	_ =	shalt  }
0x67: {  	_ =	shalt  }
0x68: {  	_ =	shalt  }
0x69: {  	_ =	shalt  }
0x6a: {  	_ =	shalt  }
0x6b: {  	_ =	shalt  }
0x6c: {  	_ =	shalt  }
0x6d: {  	_ =	shalt  }
0x6e: {  	_ =	shalt  }
0x6f: {  	_ =	shalt  }
0x70: {  	_ =	shalt  }
0x71: {  	_ =	shalt  }
0x72: {  	_ =	shalt  }
0x73: {  	_ =	shalt  }
0x74: {  	_ =	shalt  }
0x75: {  	_ =	shalt  }
0x76: {  	_ =	shalt  }
0x77: {  	_ =	shalt  }
0x78: {  	_ =	shalt  }
0x79: {  	_ =	shalt  }
0x7a: {  	_ =	shalt  }
0x7b: {  	_ =	shalt  }
0x7c: {  	_ =	shalt  }
0x7d: {  	_ =	shalt  }
0x7e: {  	_ =	shalt  }
0x7f: {  	_ =	shalt  }
0x80: {  	_ =	shalt  }
0x81: {  	_ =	shalt  }
0x82: {  	_ =	shalt  }
0x83: {  	_ =	shalt  }
0x84: {  	_ =	shalt  }
0x85: {  	_ =	shalt  }
0x86: {  	_ =	shalt  }
0x87: {  	_ =	shalt  }
.Lfunc_end0:
.L_simem_size_0:
called_computation_lowered:
.L_overlay_start_0:
0x88: {  	s2 =	sld [smem:$0x3FD9]  }
0x89: {  	s3 =	sld [smem:$0x3FFE];
	_ =	sdelay $0x1  }
0x8a: {  	s1 =	srdreg.scid  }
0x8b: {  	s0 =	sand.u32 $0x1, s1  }
0x8c: {  	s17 =	sshll.u32 s0, $0xA;
	s2 =	sadd.s32 s3, s2  }
0x8d: {  	s2 =	sadd.s32 s2, s17  }
0x8e: {  	[smem:$0x3FC4] =	sst s2  }
0x8f: {  	_ = 	snop  }
0x90: {  	s2 =	sld [smem:$0x3FC9]  }
0x91: {  	s18 =	sld [smem:$0x3FD0];
	(tm) =	ssettm $0x1  }
0x92: {  	s4 =	sld [smem:$0x3FFB];
	_ =	sdelay $0x3  }
0x93: {  	_ =	strace s4  }
0x94: {  	s4 =	sld [smem:$0x3FFC];
	_ =	sdelay $0x3  }
0x95: {  	_ =	strace s4  }
0x96: {  	s4 =	sld [smem:$0x3FFD];
	_ =	sdelay $0x3  }
0x97: {  	_ =	strace s4  }
0x98: {  	_ =	strace $0x8FFFFFFF  }
0x99: {  	s19 =	sld [smem:$0x3FDB];
	_ =	sdelay $0x1  }
0x9a: {  	s5 =	simm.s32 $_scs_section_size  }
0x9b: {  	s6 =	simm.s32 $_size__tile_overlayer_lowered;
	s7 =	simm.s32 $_tile_overlayer_lowered  }
0x9c: {  	s22 =	simm.s32 $0x1BFF;
	s21 =	sshll.u32 s7, $0x1;
	s4 =	sadd.s32 s5, s19  }
0x9d: {  	s8 =	simm.s32 $0x0;
	s20 =	sshll.u32 s6, $0x1;
	s6 =	sadd.s32 s21, s4  }
0x9e: {  	[timem:s8], [sflag:s22] =	dma.local [hbm:s6], s20  }
0x9f: {  	_ =	swait.ge [sflag:s22], s20  }
0xa0: {  	s5 =	ssub.s32 $0x0, s20;
	[sflag:s22] =	ssyncset.done $0x0  }
0xa1: {  	[sflag:s22] =	ssyncadd.s32 s5;
	_ =	sdelay $0x1  }
0xa2: {  	s23 =	simm.s32 $0x1B8B  }
0xa3: {  	_ =	swait.ge [sflag:s23], $0x1  }
0xa4: {  	[sflag:s23] =	ssyncset.done $0x0  }
0xa5: {  	s25 =	simm.s32 $0x1B8E;
	s24 =	sld [smem:$0x3FFE];
	[sflag:s23] =	ssyncadd.s32 $0xFFFFFFFF  }
0xa6: {  	s26 =	simm.s32 $execute0_lowered;
	[smem:$0x3FD2] =	sst s25  }
0xa7: {  	s6 =	sshll.u32 s26, $0x1;
	_ =	strace $0x80000046;
	[dreg:$0x1] =	wrdreg $0xFFFFFFFF  }
0xa8: {  	s28 =	simm.s32 $_size_execute0_lowered;
	s4 =	sadd.s32 s4, s6;
	[dreg:$0x0] =	wrdreg $0x0  }
0xa9: {  	s6 =	sshll.u32 s28, $0x1;
	[dreg:$0x2] =	wrdreg s4  }
0xaa: {  	[dreg:$0x3] =	wrdreg s6  }
0xab: {  	[dreg:$0x4] =	wrdreg $0xC0  }
0xac: {  	_ =	task [dreg:s8], $0x5FFFF  }
0xad: {  	[dreg:$0x1] =	wrdreg $0xFFFFFFFF  }
0xae: {  	[dreg:$0x0] =	wrdreg $0x60  }
0xaf: {  	[dreg:$0x2] =	wrdreg s24  }
0xb0: {  	[dreg:$0x3] =	wrdreg s2  }
0xb1: {  	[dreg:$0x4] =	wrdreg s18  }
0xb2: {  	[dreg:$0x5] =	wrdreg $0x9  }
0xb3: {  	_ =	task.clear_ibuf [dreg:s8], $0x6FFFF;
	_ =	strace $0x90000046  }
0xb4: {  	s29 =	simm.s32 $0x9;
	_ =	strace $0x80000048  }
0xb5: {  	_ =	swait.ge [sflag:s29], $0x1  }
0xb6: {  	[sflag:s29] =	ssyncadd.s32 $0xFFFFFFFF  }
0xb7: {  	_ =	strace $0x90000048  }
0xb8: {  	_ =	sfence  }
0xb9: {  	s30 =	sld [smem:$0x0];
	_ =	sdelay $0x2  }
0xba: {  	s31 =	sshll.u32 s1, $0xD;
	s1 =	sshrl.u32 s1, $0x2  }
0xbb: {  	s3 =	sand.u32 $0x4000, s31;
	s1 =	sadd.s32 s1, s30  }
0xbc: {  	s0 =	sor.u32 s3, s0;
	s1 =	sshll.u32 s1, $0x11  }
0xbd: {  	s0 =	sor.u32 s1, s0  }
0xbe: {  	s0 =	sadd.s32 $0x8F2B, s0  }
0xbf: {  	[sflag:s0] =	ssyncadd.remote.s32 $0x1  }
0xc0: {  	_ =	sfence.sel $0xFFFF  }
0xc1: {  	[dreg:$0x0] =	wrdreg $0xFFFFFFFF;
	(pc) =	sbr.abs _section_cstart, $3  }
0xc2: {  	[dreg:$0x1] =	wrdreg $0xFFFFFFFF  }
0xc3: {  	_ =	task.clear_ibuf [dreg:s8], $0x2FFFF;
	_ =	strace $0x9FFFFFFF  }
0xc4: {  	(tm) =	ssettm $0x7FFFFFFF  }
0xc5: {  	_ =	shalt  }
tec
execute0_lowered:
.L_overlay_start_1:
0x0: {  	(tag) =	ssettag $0x1  }
0x1: {  	s3 =	rddreg [dreg:$0x0]  }
0x2: {  	s4 =	rddreg [dreg:$0x1]  }
0x3: {  	s5 =	rddreg [dreg:$0x2]  }
0x4: {  	s0 =	rddreg [dreg:$0x3];
	s2 =	simm.s32 $0x0;
	s6 =	srdreg.scid  }
0x5: {  	s1 =	stileid.u32;
	s11 =	simm.s32 $0x80;
	s12 =	simm.s32 $0x200  }
0x6: {  	s13 =	simm.s32 $0x2200;
	s14 =	simm.s32 $0x100;
	s15 =	simm.s32 $0x4200  }
0x7: {  	s16 =	simm.s32 $0x180;
	s17 =	simm.s32 $0x6200;
	s18 =	simm.s32 $0x1  }
0x8: {  	s19 =	simm.s32 $0x8200;
	s20 =	simm.s32 $0x0;
	s6 =	sand.u32 $0x1, s6  }
0x9: {  	[smem:$0x7FF] =	sst s2;
	s7 =	sshll.u32 s1, $0x3;
	s8 =	sshll.u32 s6, $0x2  }
0xa: {  	s3 =	sadd.s32 $0x800, s3;
	s6 =	ssub.s32 $0x2, s6;
	s7 =	sor.u32 s8, s7  }
0xb: {  	v0 =	vlaneseq.u32;
	_ =	strace $0x80000047;
	s31 =	sshrl.u32 s6, $0x1;
	s9 =	sshll.u32 s7, $0x4  }
0xc: {  	v0 =	vmul.u32 $0x208, v0;
	s7 =	sshll.u32 s7, $0x7;
	s10 =	ssub.s32 s6, s31;
	s4 =	sadd.s32 s4, s9  }
0xd: {  	s5 =	sadd.s32 s5, s7;
	s9 =	smax.u32 s10, $0x1;
	s10 =	simm.s32 $0x2  }
0xe: {  	v1 =	vadd.s32 $0x2080, v0;
	v2 =	vadd.s32 $0x4100, v0;
	v3 =	vadd.s32 $0x6180, v0;
	s6 =	sadd.s32 $0x80, s5;
	s7 =	sadd.s32 $0x100, s5;
	s8 =	sadd.s32 $0x180, s5  }
.LBB2_1:
0xf: {  	[tilespmem:s2], [sflag:$0x2] =	stream.linear.gather [hbm4b:s4+s2], $0x200, $0x38;
	[tilespmem:$0x10400] =	vst v63  }
0x10: {  	_ =	swait.ge [sflag:s10], $0x200  }
0x11: {  	[sflag:s10] =	ssyncset.done $0x0  }
0x12: {  	[sflag:s10] =	ssyncadd.s32 $0xFFFFFE00  }
0x13: {  	[tilespmem:s12], [sflag:$0x1] =	stream.indirect.gather [hbm4b:s3+s11], $0x40, s2, s11, $0xb8;
	[tilespmem:$0x10400] =	vst v63  }
0x14: {  	_ = 	snop  }
0x15: {  	[tilespmem:s13], [sflag:$0x1] =	stream.indirect.gather [hbm4b:s3+s11], $0x40, s11, s11, $0xb8;
	[tilespmem:$0x10400] =	vst v63  }
0x16: {  	_ = 	snop  }
0x17: {  	[tilespmem:s15], [sflag:$0x1] =	stream.indirect.gather [hbm4b:s3+s11], $0x40, s14, s11, $0xb8;
	[tilespmem:$0x10400] =	vst v63  }
0x18: {  	_ = 	snop  }
0x19: {  	[tilespmem:s17], [sflag:$0x1] =	stream.indirect.gather [hbm4b:s3+s11], $0x40, s16, s11, $0xb8;
	[tilespmem:$0x10400] =	vst v63  }
0x1a: {  	_ =	swait.ge [sflag:s18], $0x2000  }
0x1b: {  	[sflag:s18] =	ssyncset.done $0x0  }
0x1c: {  	[sflag:s18] =	ssyncadd.s32 $0xFFFFE000  }
0x1d: {  	_ =	swait.ge [sflag:s18], $0x2000  }
0x1e: {  	[sflag:s18] =	ssyncset.done $0x0  }
0x1f: {  	[sflag:s18] =	ssyncadd.s32 $0xFFFFE000  }
0x20: {  	_ =	swait.ge [sflag:s18], $0x2000  }
0x21: {  	[sflag:s18] =	ssyncset.done $0x0  }
0x22: {  	[sflag:s18] =	ssyncadd.s32 $0xFFFFE000  }
0x23: {  	_ =	swait.ge [sflag:s18], $0x2000  }
0x24: {  	v4 =	vmov s2;
	[sflag:s18] =	ssyncset.done $0x0  }
0x25: {  	s23 =	simm.s32 $0x220;
	v8 =	vand.u32 $0x1FF, v4;
	[sflag:s18] =	ssyncadd.s32 $0xFFFFE000  }
0x26: {  	v6 =	vadd.s32 v0, v8;
	v5 =	vld [tilespmem:s23+$0xFFFFFFE0];
	_ =	sdelay $0x1  }
0x27: {  	s21 =	simm.s32 $0x1  }
0x28: {  	v4 =	vmov s21  }
0x29: {  	s21 =	simm.s32 $0x260;
	v4 =	vand.u32 $0x1FF, v4  }
0x2a: {  	v7 =	vadd.s32 v0, v4;
	[tilespmem:v6+s19+$0x0] =	vst.idx.msk $0xffff, v5;
	v6 =	vld [tilespmem:s21+$0xFFFFFFE0]  }
0x2b: {  	v10 =	vadd.s32 v1, v8;
	v9 =	vld [tilespmem:s23+$0xFFFFFFF0]  }
0x2c: {  	s22 =	simm.s32 $0x2  }
0x2d: {  	v5 =	vmov s22  }
0x2e: {  	s22 =	simm.s32 $0x2A0;
	v5 =	vand.u32 $0x1FF, v5  }
0x2f: {  	[tilespmem:v7+s19+$0x0] =	vst.idx.msk $0xffff, v6;
	v6 =	vld [tilespmem:s22+$0xFFFFFFE0];
	v7 =	vadd.s32 v0, v5  }
0x30: {  	v11 =	vadd.s32 v1, v4;
	[tilespmem:v10+s19+$0x0] =	vst.idx.msk $0xffff, v9;
	v9 =	vld [tilespmem:s21+$0xFFFFFFF0]  }
0x31: {  	v15 =	vadd.s32 v2, v8;
	v14 =	vld [tilespmem:s23+$0x0]  }
0x32: {  	s25 =	simm.s32 $0x3  }
0x33: {  	v12 =	vmov s25  }
0x34: {  	s24 =	simm.s32 $0x2E0;
	[tilespmem:v7+s19+$0x0] =	vst.idx.msk $0xffff, v6;
	v6 =	vand.u32 $0x1FF, v12  }
0x35: {  	v10 =	vld [tilespmem:s24+$0xFFFFFFE0];
	[tilespmem:v11+s19+$0x0] =	vst.idx.msk $0xffff, v9;
	v13 =	vadd.s32 v0, v6  }
0x36: {  	v12 =	vld [tilespmem:s22+$0xFFFFFFF0];
	[tilespmem:v15+s19+$0x0] =	vst.idx.msk $0xffff, v14;
	v14 =	vadd.s32 v1, v5  }
0x37: {  	v11 =	vadd.s32 v2, v4;
	v9 =	vld [tilespmem:s21+$0x0]  }
0x38: {  	s25 =	simm.s32 $0x4;
	v8 =	vadd.s32 v3, v8;
	v7 =	vld [tilespmem:s23+$0x10];
	s23 =	simm.s32 $0x2E0  }
.LBB2_2:
0x39: {  	v15 =	vmov s25;
	p0 =	sne.s32 s25, $0x1FF  }
.Ltmp0:
0x3a: {  	s24 =	sadd.s32 $0x40, s24;
	v15 =	vand.u32 $0x1FF, v15;
	[tilespmem:v13+s19+$0x0] =	vst.idx.msk $0xffff, v10;
	(pc) =	sbr.rel @p0 .LBB2_2-.Ltmp0, $4  }
0x3b: {  	v10 =	vld [tilespmem:s24+$0xFFFFFFE0];
	v13 =	vadd.s32 v0, v15;
	[tilespmem:v14+s19+$0x0] =	vst.idx.msk $0xffff, v12  }
0x3c: {  	s25 =	sadd.s32 $0x1, s25;
	v14 =	vadd.s32 v1, v6;
	v12 =	vld [tilespmem:s23+$0xFFFFFFF0];
	[tilespmem:v11+s19+$0x0] =	vst.idx.msk $0xffff, v9  }
0x3d: {  	v11 =	vadd.s32 v2, v5;
	v9 =	vld [tilespmem:s22+$0x0];
	[tilespmem:v8+s19+$0x0] =	vst.idx.msk $0xffff, v7  }
0x3e: {  	v8 =	vadd.s32 v3, v4;
	v4 =	vmovc v5;
	v5 =	vmov v6;
	v6 =	vmov v15;
	v7 =	vld [tilespmem:s21+$0x10];
	s21 =	smov.u32 s22;
	s22 =	smov.u32 s23;
	s23 =	smov.u32 s24  }
0x3f: {  	_ =	sdelay $0x3  }
0x40: {  	[tilespmem:v13+s19+$0x0] =	vst.idx.msk $0xffff, v10  }
0x41: {  	v59 =	vadd.s32 v1, v6;
	v10 =	vld [tilespmem:s23+$0xFFFFFFF0];
	_ =	sdelay $0x3  }
0x42: {  	[tilespmem:v14+s19+$0x0] =	vst.idx.msk $0xffff, v12  }
0x43: {  	v60 =	vadd.s32 v2, v5;
	v12 =	vld [tilespmem:s22+$0x0];
	[tilespmem:v59+s19+$0x0] =	vst.idx.msk $0xffff, v10  }
0x44: {  	v61 =	vadd.s32 v2, v6;
	v10 =	vld [tilespmem:s23+$0x0];
	_ =	sdelay $0x2  }
0x45: {  	[tilespmem:v11+s19+$0x0] =	vst.idx.msk $0xffff, v9  }
0x46: {  	v4 =	vadd.s32 v3, v4;
	v9 =	vld [tilespmem:s21+$0x10];
	[tilespmem:v60+s19+$0x0] =	vst.idx.msk $0xffff, v12  }
0x47: {  	v5 =	vadd.s32 v3, v5;
	v62 =	vld [tilespmem:s22+$0x10];
	[tilespmem:v61+s19+$0x0] =	vst.idx.msk $0xffff, v10  }
0x48: {  	v63 =	vadd.s32 v3, v6;
	v10 =	vld [tilespmem:s23+$0x10];
	_ =	sdelay $0x1  }
0x49: {  	[tilespmem:v8+s19+$0x0] =	vst.idx.msk $0xffff, v7  }
0x4a: {  	[tilespmem:v4+s19+$0x0] =	vst.idx.msk $0xffff, v9  }
0x4b: {  	[tilespmem:v5+s19+$0x0] =	vst.idx.msk $0xffff, v62  }
0x4c: {  	s26 =	simm.s32 $0x8200;
	[tilespmem:v63+s19+$0x0] =	vst.idx.msk $0xffff, v10  }
0x4d: {  	[hbm4b:s5+s2] =	stream.linear.scatter [tilespmem:s26], [sflag:$0x2], $0x80, $0x38;
	[tilespmem:$0x10400] =	vst v63  }
0x4e: {  	s28 =	simm.s32 $0x8408;
	s29 =	sadd.s32 $0x10, s5  }
0x4f: {  	[hbm4b:s29+s2] =	stream.linear.scatter [tilespmem:s28], [sflag:$0x2], $0x80, $0x38;
	[tilespmem:$0x10400] =	vst v63  }
0x50: {  	s30 =	simm.s32 $0x8610;
	s31 =	sadd.s32 $0x20, s5;
	s24 =	sadd.s32 $0x30, s5  }
0x51: {  	[hbm4b:s31+s2] =	stream.linear.scatter [tilespmem:s30], [sflag:$0x2], $0x80, $0x38;
	[tilespmem:$0x10400] =	vst v63  }
0x52: {  	s25 =	simm.s32 $0x8A20;
	s21 =	simm.s32 $0x1040;
	s23 =	simm.s32 $0x8818  }
0x53: {  	[hbm4b:s24+s2] =	stream.linear.scatter [tilespmem:s23], [sflag:$0x2], $0x80, $0x38;
	[tilespmem:$0x10400] =	vst v63  }
0x54: {  	s22 =	sadd.s32 $0x4000, s5;
	s26 =	sadd.s32 $0x40, s5;
	s28 =	simm.s32 $0x8C28  }
0x55: {  	[hbm4b:s26+s2] =	stream.linear.scatter [tilespmem:s25], [sflag:$0x2], $0x80, $0x38;
	[tilespmem:$0x10400] =	vst v63  }
0x56: {  	s29 =	sadd.s32 $0x50, s5;
	s30 =	simm.s32 $0x8E30;
	s31 =	sadd.s32 $0x60, s5  }
0x57: {  	[hbm4b:s29+s2] =	stream.linear.scatter [tilespmem:s28], [sflag:$0x2], $0x80, $0x38;
	[tilespmem:$0x10400] =	vst v63  }
0x58: {  	s23 =	simm.s32 $0x8200;
	s24 =	simm.s32 $0x9038;
	s25 =	sadd.s32 $0x70, s5  }
0x59: {  	[hbm4b:s31+s2] =	stream.linear.scatter [tilespmem:s30], [sflag:$0x2], $0x80, $0x38;
	[tilespmem:$0x10400] =	vst v63  }
.LBB2_4:
0x5a: {  	[hbm4b:s25+s2] =	stream.linear.scatter [tilespmem:s24], [sflag:$0x2], $0x80, $0x38;
	[tilespmem:$0x10400] =	vst v63  }
0x5b: {  	s24 =	smov.u32 s21;
	s21 =	smov.u32 s23  }
0x5c: {  	s26 =	sadd.s32 $0x4100, s23;
	s21 =	sshra.s32 s21, $0x2;
	s25 =	sadd.s32 $0x8200, s24  }
0x5d: {  	[hbm4b:s22+s2] =	stream.linear.scatter [tilespmem:s25], [sflag:$0x2], $0x80, $0x38;
	[tilespmem:$0x10400] =	vst v63  }
0x5e: {  	p0 =	sne.s32 s23, $0x1C700;
	s23 =	sadd.s32 $0x8408, s24;
	s25 =	sadd.s32 $0x10, s22  }
0x5f: {  	[hbm4b:s25+s2] =	stream.linear.scatter [tilespmem:s23], [sflag:$0x2], $0x80, $0x38;
	[tilespmem:$0x10400] =	vst v63  }
0x60: {  	s23 =	sadd.s32 $0x8610, s24;
	s25 =	sadd.s32 $0x20, s22  }
0x61: {  	[hbm4b:s25+s2] =	stream.linear.scatter [tilespmem:s23], [sflag:$0x2], $0x80, $0x38;
	[tilespmem:$0x10400] =	vst v63  }
0x62: {  	s23 =	sadd.s32 $0x8818, s24;
	s25 =	sadd.s32 $0x30, s22  }
0x63: {  	[hbm4b:s25+s2] =	stream.linear.scatter [tilespmem:s23], [sflag:$0x2], $0x80, $0x38;
	[tilespmem:$0x10400] =	vst v63  }
0x64: {  	s23 =	sadd.s32 $0x8A20, s24;
	s25 =	sadd.s32 $0x40, s22  }
0x65: {  	[hbm4b:s25+s2] =	stream.linear.scatter [tilespmem:s23], [sflag:$0x2], $0x80, $0x38;
	[tilespmem:$0x10400] =	vst v63  }
.Ltmp1:
0x66: {  	s23 =	sadd.s32 $0x8C28, s24;
	s25 =	sadd.s32 $0x50, s22;
	(pc) =	sbr.rel @p0 .LBB2_4-.Ltmp1, $4  }
0x67: {  	[hbm4b:s25+s2] =	stream.linear.scatter [tilespmem:s23], [sflag:$0x2], $0x80, $0x38;
	[tilespmem:$0x10400] =	vst v63  }
0x68: {  	s23 =	sadd.s32 $0x8E30, s24;
	s25 =	sadd.s32 $0x60, s22;
	s24 =	sadd.s32 $0x9038, s24  }
0x69: {  	[hbm4b:s25+s2] =	stream.linear.scatter [tilespmem:s23], [sflag:$0x2], $0x80, $0x38;
	[tilespmem:$0x10400] =	vst v63  }
0x6a: {  	s25 =	sadd.s32 $0x70, s22;
	s22 =	sadd.s32 $0x4000, s22;
	s23 =	smov.u32 s26  }
0x6b: {  	[hbm4b:s25+s2] =	stream.linear.scatter [tilespmem:s24], [sflag:$0x2], $0x80, $0x38;
	[tilespmem:$0x10400] =	vst v63  }
0x6c: {  	s23 =	sadd.s32 $0x8200, s21  }
0x6d: {  	[hbm4b:s22+s2] =	stream.linear.scatter [tilespmem:s23], [sflag:$0x2], $0x80, $0x38;
	[tilespmem:$0x10400] =	vst v63  }
0x6e: {  	s25 =	sadd.s32 $0x8408, s21;
	s26 =	sadd.s32 $0x10, s22  }
0x6f: {  	[hbm4b:s26+s2] =	stream.linear.scatter [tilespmem:s25], [sflag:$0x2], $0x80, $0x38;
	[tilespmem:$0x10400] =	vst v63  }
0x70: {  	s28 =	sadd.s32 $0x8610, s21;
	s29 =	sadd.s32 $0x20, s22  }
0x71: {  	[hbm4b:s29+s2] =	stream.linear.scatter [tilespmem:s28], [sflag:$0x2], $0x80, $0x38;
	[tilespmem:$0x10400] =	vst v63  }
0x72: {  	s30 =	sadd.s32 $0x8818, s21;
	s31 =	sadd.s32 $0x30, s22  }
0x73: {  	[hbm4b:s31+s2] =	stream.linear.scatter [tilespmem:s30], [sflag:$0x2], $0x80, $0x38;
	[tilespmem:$0x10400] =	vst v63  }
0x74: {  	s25 =	sadd.s32 $0x8A20, s21;
	s26 =	sadd.s32 $0x40, s22  }
0x75: {  	[hbm4b:s26+s2] =	stream.linear.scatter [tilespmem:s25], [sflag:$0x2], $0x80, $0x38;
	[tilespmem:$0x10400] =	vst v63  }
0x76: {  	s28 =	sadd.s32 $0x8C28, s21;
	s29 =	sadd.s32 $0x50, s22  }
0x77: {  	[hbm4b:s29+s2] =	stream.linear.scatter [tilespmem:s28], [sflag:$0x2], $0x80, $0x38;
	[tilespmem:$0x10400] =	vst v63  }
0x78: {  	s30 =	sadd.s32 $0x8E30, s21;
	s31 =	sadd.s32 $0x60, s22  }
0x79: {  	[hbm4b:s31+s2] =	stream.linear.scatter [tilespmem:s30], [sflag:$0x2], $0x80, $0x38;
	[tilespmem:$0x10400] =	vst v63  }
0x7a: {  	s24 =	sadd.s32 $0x9038, s21;
	s25 =	sadd.s32 $0x70, s22  }
0x7b: {  	[hbm4b:s25+s2] =	stream.linear.scatter [tilespmem:s24], [sflag:$0x2], $0x80, $0x38;
	[tilespmem:$0x10400] =	vst v63  }
0x7c: {  	_ =	swait.ge [sflag:s10], $0x2000  }
0x7d: {  	[sflag:s10] =	ssyncset.done $0x0  }
0x7e: {  	s26 =	simm.s32 $0x8280;
	[sflag:s10] =	ssyncadd.s32 $0xFFFFE000  }
0x7f: {  	[hbm4b:s6+s2] =	stream.linear.scatter [tilespmem:s26], [sflag:$0x2], $0x80, $0x38;
	[tilespmem:$0x10400] =	vst v63  }
0x80: {  	s28 =	simm.s32 $0x8488;
	s29 =	sadd.s32 $0x10, s6  }
0x81: {  	[hbm4b:s29+s2] =	stream.linear.scatter [tilespmem:s28], [sflag:$0x2], $0x80, $0x38;
	[tilespmem:$0x10400] =	vst v63  }
0x82: {  	s23 =	simm.s32 $0x8898;
	s30 =	simm.s32 $0x8690;
	s31 =	sadd.s32 $0x20, s6  }
0x83: {  	[hbm4b:s31+s2] =	stream.linear.scatter [tilespmem:s30], [sflag:$0x2], $0x80, $0x38;
	[tilespmem:$0x10400] =	vst v63  }
0x84: {  	s21 =	simm.s32 $0x1040;
	s22 =	sadd.s32 $0x4000, s6;
	s24 =	sadd.s32 $0x30, s6  }
0x85: {  	[hbm4b:s24+s2] =	stream.linear.scatter [tilespmem:s23], [sflag:$0x2], $0x80, $0x38;
	[tilespmem:$0x10400] =	vst v63  }
0x86: {  	s25 =	simm.s32 $0x8AA0;
	s26 =	sadd.s32 $0x40, s6;
	s28 =	simm.s32 $0x8CA8  }
0x87: {  	[hbm4b:s26+s2] =	stream.linear.scatter [tilespmem:s25], [sflag:$0x2], $0x80, $0x38;
	[tilespmem:$0x10400] =	vst v63  }
0x88: {  	s29 =	sadd.s32 $0x50, s6;
	s30 =	simm.s32 $0x8EB0;
	s31 =	sadd.s32 $0x60, s6  }
0x89: {  	[hbm4b:s29+s2] =	stream.linear.scatter [tilespmem:s28], [sflag:$0x2], $0x80, $0x38;
	[tilespmem:$0x10400] =	vst v63  }
0x8a: {  	s23 =	simm.s32 $0x8200;
	s24 =	simm.s32 $0x90B8;
	s25 =	sadd.s32 $0x70, s6  }
0x8b: {  	[hbm4b:s31+s2] =	stream.linear.scatter [tilespmem:s30], [sflag:$0x2], $0x80, $0x38;
	[tilespmem:$0x10400] =	vst v63  }
.LBB2_6:
0x8c: {  	[hbm4b:s25+s2] =	stream.linear.scatter [tilespmem:s24], [sflag:$0x2], $0x80, $0x38;
	[tilespmem:$0x10400] =	vst v63  }
0x8d: {  	s24 =	smov.u32 s21;
	s21 =	smov.u32 s23  }
0x8e: {  	s26 =	sadd.s32 $0x4100, s23;
	s21 =	sshra.s32 s21, $0x2;
	s25 =	sadd.s32 $0x8280, s24  }
0x8f: {  	[hbm4b:s22+s2] =	stream.linear.scatter [tilespmem:s25], [sflag:$0x2], $0x80, $0x38;
	[tilespmem:$0x10400] =	vst v63  }
0x90: {  	p0 =	sne.s32 s23, $0x1C700;
	s23 =	sadd.s32 $0x8488, s24;
	s25 =	sadd.s32 $0x10, s22  }
0x91: {  	[hbm4b:s25+s2] =	stream.linear.scatter [tilespmem:s23], [sflag:$0x2], $0x80, $0x38;
	[tilespmem:$0x10400] =	vst v63  }
0x92: {  	s23 =	sadd.s32 $0x8690, s24;
	s25 =	sadd.s32 $0x20, s22  }
0x93: {  	[hbm4b:s25+s2] =	stream.linear.scatter [tilespmem:s23], [sflag:$0x2], $0x80, $0x38;
	[tilespmem:$0x10400] =	vst v63  }
0x94: {  	s23 =	sadd.s32 $0x8898, s24;
	s25 =	sadd.s32 $0x30, s22  }
0x95: {  	[hbm4b:s25+s2] =	stream.linear.scatter [tilespmem:s23], [sflag:$0x2], $0x80, $0x38;
	[tilespmem:$0x10400] =	vst v63  }
0x96: {  	s23 =	sadd.s32 $0x8AA0, s24;
	s25 =	sadd.s32 $0x40, s22  }
0x97: {  	[hbm4b:s25+s2] =	stream.linear.scatter [tilespmem:s23], [sflag:$0x2], $0x80, $0x38;
	[tilespmem:$0x10400] =	vst v63  }
.Ltmp2:
0x98: {  	s23 =	sadd.s32 $0x8CA8, s24;
	s25 =	sadd.s32 $0x50, s22;
	(pc) =	sbr.rel @p0 .LBB2_6-.Ltmp2, $4  }
0x99: {  	[hbm4b:s25+s2] =	stream.linear.scatter [tilespmem:s23], [sflag:$0x2], $0x80, $0x38;
	[tilespmem:$0x10400] =	vst v63  }
0x9a: {  	s23 =	sadd.s32 $0x8EB0, s24;
	s25 =	sadd.s32 $0x60, s22;
	s24 =	sadd.s32 $0x90B8, s24  }
0x9b: {  	[hbm4b:s25+s2] =	stream.linear.scatter [tilespmem:s23], [sflag:$0x2], $0x80, $0x38;
	[tilespmem:$0x10400] =	vst v63  }
0x9c: {  	s25 =	sadd.s32 $0x70, s22;
	s22 =	sadd.s32 $0x4000, s22;
	s23 =	smov.u32 s26  }
0x9d: {  	[hbm4b:s25+s2] =	stream.linear.scatter [tilespmem:s24], [sflag:$0x2], $0x80, $0x38;
	[tilespmem:$0x10400] =	vst v63  }
0x9e: {  	s23 =	sadd.s32 $0x8280, s21  }
0x9f: {  	[hbm4b:s22+s2] =	stream.linear.scatter [tilespmem:s23], [sflag:$0x2], $0x80, $0x38;
	[tilespmem:$0x10400] =	vst v63  }
0xa0: {  	s25 =	sadd.s32 $0x8488, s21;
	s26 =	sadd.s32 $0x10, s22  }
0xa1: {  	[hbm4b:s26+s2] =	stream.linear.scatter [tilespmem:s25], [sflag:$0x2], $0x80, $0x38;
	[tilespmem:$0x10400] =	vst v63  }
0xa2: {  	s28 =	sadd.s32 $0x8690, s21;
	s29 =	sadd.s32 $0x20, s22  }
0xa3: {  	[hbm4b:s29+s2] =	stream.linear.scatter [tilespmem:s28], [sflag:$0x2], $0x80, $0x38;
	[tilespmem:$0x10400] =	vst v63  }
0xa4: {  	s30 =	sadd.s32 $0x8898, s21;
	s31 =	sadd.s32 $0x30, s22  }
0xa5: {  	[hbm4b:s31+s2] =	stream.linear.scatter [tilespmem:s30], [sflag:$0x2], $0x80, $0x38;
	[tilespmem:$0x10400] =	vst v63  }
0xa6: {  	s25 =	sadd.s32 $0x8AA0, s21;
	s26 =	sadd.s32 $0x40, s22  }
0xa7: {  	[hbm4b:s26+s2] =	stream.linear.scatter [tilespmem:s25], [sflag:$0x2], $0x80, $0x38;
	[tilespmem:$0x10400] =	vst v63  }
0xa8: {  	s28 =	sadd.s32 $0x8CA8, s21;
	s29 =	sadd.s32 $0x50, s22  }
0xa9: {  	[hbm4b:s29+s2] =	stream.linear.scatter [tilespmem:s28], [sflag:$0x2], $0x80, $0x38;
	[tilespmem:$0x10400] =	vst v63  }
0xaa: {  	s30 =	sadd.s32 $0x8EB0, s21;
	s31 =	sadd.s32 $0x60, s22  }
0xab: {  	[hbm4b:s31+s2] =	stream.linear.scatter [tilespmem:s30], [sflag:$0x2], $0x80, $0x38;
	[tilespmem:$0x10400] =	vst v63  }
0xac: {  	s24 =	sadd.s32 $0x90B8, s21;
	s25 =	sadd.s32 $0x70, s22  }
0xad: {  	[hbm4b:s25+s2] =	stream.linear.scatter [tilespmem:s24], [sflag:$0x2], $0x80, $0x38;
	[tilespmem:$0x10400] =	vst v63  }
0xae: {  	_ =	swait.ge [sflag:s10], $0x2000  }
0xaf: {  	[sflag:s10] =	ssyncset.done $0x0  }
0xb0: {  	s26 =	simm.s32 $0x8300;
	[sflag:s10] =	ssyncadd.s32 $0xFFFFE000  }
0xb1: {  	[hbm4b:s7+s2] =	stream.linear.scatter [tilespmem:s26], [sflag:$0x2], $0x80, $0x38;
	[tilespmem:$0x10400] =	vst v63  }
0xb2: {  	s28 =	simm.s32 $0x8508;
	s29 =	sadd.s32 $0x10, s7  }
0xb3: {  	[hbm4b:s29+s2] =	stream.linear.scatter [tilespmem:s28], [sflag:$0x2], $0x80, $0x38;
	[tilespmem:$0x10400] =	vst v63  }
0xb4: {  	s23 =	simm.s32 $0x8918;
	s30 =	simm.s32 $0x8710;
	s31 =	sadd.s32 $0x20, s7  }
0xb5: {  	[hbm4b:s31+s2] =	stream.linear.scatter [tilespmem:s30], [sflag:$0x2], $0x80, $0x38;
	[tilespmem:$0x10400] =	vst v63  }
0xb6: {  	s21 =	simm.s32 $0x1040;
	s22 =	sadd.s32 $0x4000, s7;
	s24 =	sadd.s32 $0x30, s7  }
0xb7: {  	[hbm4b:s24+s2] =	stream.linear.scatter [tilespmem:s23], [sflag:$0x2], $0x80, $0x38;
	[tilespmem:$0x10400] =	vst v63  }
0xb8: {  	s25 =	simm.s32 $0x8B20;
	s26 =	sadd.s32 $0x40, s7;
	s28 =	simm.s32 $0x8D28  }
0xb9: {  	[hbm4b:s26+s2] =	stream.linear.scatter [tilespmem:s25], [sflag:$0x2], $0x80, $0x38;
	[tilespmem:$0x10400] =	vst v63  }
0xba: {  	s29 =	sadd.s32 $0x50, s7;
	s30 =	simm.s32 $0x8F30;
	s31 =	sadd.s32 $0x60, s7  }
0xbb: {  	[hbm4b:s29+s2] =	stream.linear.scatter [tilespmem:s28], [sflag:$0x2], $0x80, $0x38;
	[tilespmem:$0x10400] =	vst v63  }
0xbc: {  	s23 =	simm.s32 $0x8200;
	s24 =	simm.s32 $0x9138;
	s25 =	sadd.s32 $0x70, s7  }
0xbd: {  	[hbm4b:s31+s2] =	stream.linear.scatter [tilespmem:s30], [sflag:$0x2], $0x80, $0x38;
	[tilespmem:$0x10400] =	vst v63  }
.LBB2_8:
0xbe: {  	[hbm4b:s25+s2] =	stream.linear.scatter [tilespmem:s24], [sflag:$0x2], $0x80, $0x38;
	[tilespmem:$0x10400] =	vst v63  }
0xbf: {  	s24 =	smov.u32 s21;
	s21 =	smov.u32 s23  }
0xc0: {  	s26 =	sadd.s32 $0x4100, s23;
	s21 =	sshra.s32 s21, $0x2;
	s25 =	sadd.s32 $0x8300, s24  }
0xc1: {  	[hbm4b:s22+s2] =	stream.linear.scatter [tilespmem:s25], [sflag:$0x2], $0x80, $0x38;
	[tilespmem:$0x10400] =	vst v63  }
0xc2: {  	p0 =	sne.s32 s23, $0x1C700;
	s23 =	sadd.s32 $0x8508, s24;
	s25 =	sadd.s32 $0x10, s22  }
0xc3: {  	[hbm4b:s25+s2] =	stream.linear.scatter [tilespmem:s23], [sflag:$0x2], $0x80, $0x38;
	[tilespmem:$0x10400] =	vst v63  }
0xc4: {  	s23 =	sadd.s32 $0x8710, s24;
	s25 =	sadd.s32 $0x20, s22  }
0xc5: {  	[hbm4b:s25+s2] =	stream.linear.scatter [tilespmem:s23], [sflag:$0x2], $0x80, $0x38;
	[tilespmem:$0x10400] =	vst v63  }
0xc6: {  	s23 =	sadd.s32 $0x8918, s24;
	s25 =	sadd.s32 $0x30, s22  }
0xc7: {  	[hbm4b:s25+s2] =	stream.linear.scatter [tilespmem:s23], [sflag:$0x2], $0x80, $0x38;
	[tilespmem:$0x10400] =	vst v63  }
0xc8: {  	s23 =	sadd.s32 $0x8B20, s24;
	s25 =	sadd.s32 $0x40, s22  }
0xc9: {  	[hbm4b:s25+s2] =	stream.linear.scatter [tilespmem:s23], [sflag:$0x2], $0x80, $0x38;
	[tilespmem:$0x10400] =	vst v63  }
.Ltmp3:
0xca: {  	s23 =	sadd.s32 $0x8D28, s24;
	s25 =	sadd.s32 $0x50, s22;
	(pc) =	sbr.rel @p0 .LBB2_8-.Ltmp3, $4  }
0xcb: {  	[hbm4b:s25+s2] =	stream.linear.scatter [tilespmem:s23], [sflag:$0x2], $0x80, $0x38;
	[tilespmem:$0x10400] =	vst v63  }
0xcc: {  	s23 =	sadd.s32 $0x8F30, s24;
	s25 =	sadd.s32 $0x60, s22;
	s24 =	sadd.s32 $0x9138, s24  }
0xcd: {  	[hbm4b:s25+s2] =	stream.linear.scatter [tilespmem:s23], [sflag:$0x2], $0x80, $0x38;
	[tilespmem:$0x10400] =	vst v63  }
0xce: {  	s25 =	sadd.s32 $0x70, s22;
	s22 =	sadd.s32 $0x4000, s22;
	s23 =	smov.u32 s26  }
0xcf: {  	[hbm4b:s25+s2] =	stream.linear.scatter [tilespmem:s24], [sflag:$0x2], $0x80, $0x38;
	[tilespmem:$0x10400] =	vst v63  }
0xd0: {  	s23 =	sadd.s32 $0x8300, s21  }
0xd1: {  	[hbm4b:s22+s2] =	stream.linear.scatter [tilespmem:s23], [sflag:$0x2], $0x80, $0x38;
	[tilespmem:$0x10400] =	vst v63  }
0xd2: {  	s25 =	sadd.s32 $0x8508, s21;
	s26 =	sadd.s32 $0x10, s22  }
0xd3: {  	[hbm4b:s26+s2] =	stream.linear.scatter [tilespmem:s25], [sflag:$0x2], $0x80, $0x38;
	[tilespmem:$0x10400] =	vst v63  }
0xd4: {  	s28 =	sadd.s32 $0x8710, s21;
	s29 =	sadd.s32 $0x20, s22  }
0xd5: {  	[hbm4b:s29+s2] =	stream.linear.scatter [tilespmem:s28], [sflag:$0x2], $0x80, $0x38;
	[tilespmem:$0x10400] =	vst v63  }
0xd6: {  	s30 =	sadd.s32 $0x8918, s21;
	s31 =	sadd.s32 $0x30, s22  }
0xd7: {  	[hbm4b:s31+s2] =	stream.linear.scatter [tilespmem:s30], [sflag:$0x2], $0x80, $0x38;
	[tilespmem:$0x10400] =	vst v63  }
0xd8: {  	s25 =	sadd.s32 $0x8B20, s21;
	s26 =	sadd.s32 $0x40, s22  }
0xd9: {  	[hbm4b:s26+s2] =	stream.linear.scatter [tilespmem:s25], [sflag:$0x2], $0x80, $0x38;
	[tilespmem:$0x10400] =	vst v63  }
0xda: {  	s28 =	sadd.s32 $0x8D28, s21;
	s29 =	sadd.s32 $0x50, s22  }
0xdb: {  	[hbm4b:s29+s2] =	stream.linear.scatter [tilespmem:s28], [sflag:$0x2], $0x80, $0x38;
	[tilespmem:$0x10400] =	vst v63  }
0xdc: {  	s30 =	sadd.s32 $0x8F30, s21;
	s31 =	sadd.s32 $0x60, s22  }
0xdd: {  	[hbm4b:s31+s2] =	stream.linear.scatter [tilespmem:s30], [sflag:$0x2], $0x80, $0x38;
	[tilespmem:$0x10400] =	vst v63  }
0xde: {  	s24 =	sadd.s32 $0x9138, s21;
	s25 =	sadd.s32 $0x70, s22  }
0xdf: {  	[hbm4b:s25+s2] =	stream.linear.scatter [tilespmem:s24], [sflag:$0x2], $0x80, $0x38;
	[tilespmem:$0x10400] =	vst v63  }
0xe0: {  	_ =	swait.ge [sflag:s10], $0x2000  }
0xe1: {  	[sflag:s10] =	ssyncset.done $0x0  }
0xe2: {  	s26 =	simm.s32 $0x8380;
	[sflag:s10] =	ssyncadd.s32 $0xFFFFE000  }
0xe3: {  	[hbm4b:s8+s2] =	stream.linear.scatter [tilespmem:s26], [sflag:$0x2], $0x80, $0x38;
	[tilespmem:$0x10400] =	vst v63  }
0xe4: {  	s28 =	simm.s32 $0x8588;
	s29 =	sadd.s32 $0x10, s8  }
0xe5: {  	[hbm4b:s29+s2] =	stream.linear.scatter [tilespmem:s28], [sflag:$0x2], $0x80, $0x38;
	[tilespmem:$0x10400] =	vst v63  }
0xe6: {  	s23 =	simm.s32 $0x8998;
	s30 =	simm.s32 $0x8790;
	s31 =	sadd.s32 $0x20, s8  }
0xe7: {  	[hbm4b:s31+s2] =	stream.linear.scatter [tilespmem:s30], [sflag:$0x2], $0x80, $0x38;
	[tilespmem:$0x10400] =	vst v63  }
0xe8: {  	s21 =	simm.s32 $0x1040;
	s22 =	sadd.s32 $0x4000, s8;
	s24 =	sadd.s32 $0x30, s8  }
0xe9: {  	[hbm4b:s24+s2] =	stream.linear.scatter [tilespmem:s23], [sflag:$0x2], $0x80, $0x38;
	[tilespmem:$0x10400] =	vst v63  }
0xea: {  	s25 =	simm.s32 $0x8BA0;
	s26 =	sadd.s32 $0x40, s8;
	s28 =	simm.s32 $0x8DA8  }
0xeb: {  	[hbm4b:s26+s2] =	stream.linear.scatter [tilespmem:s25], [sflag:$0x2], $0x80, $0x38;
	[tilespmem:$0x10400] =	vst v63  }
0xec: {  	s29 =	sadd.s32 $0x50, s8;
	s30 =	simm.s32 $0x8FB0;
	s31 =	sadd.s32 $0x60, s8  }
0xed: {  	[hbm4b:s29+s2] =	stream.linear.scatter [tilespmem:s28], [sflag:$0x2], $0x80, $0x38;
	[tilespmem:$0x10400] =	vst v63  }
0xee: {  	s23 =	simm.s32 $0x8200;
	s24 =	simm.s32 $0x91B8;
	s25 =	sadd.s32 $0x70, s8  }
0xef: {  	[hbm4b:s31+s2] =	stream.linear.scatter [tilespmem:s30], [sflag:$0x2], $0x80, $0x38;
	[tilespmem:$0x10400] =	vst v63  }
.LBB2_10:
0xf0: {  	[hbm4b:s25+s2] =	stream.linear.scatter [tilespmem:s24], [sflag:$0x2], $0x80, $0x38;
	[tilespmem:$0x10400] =	vst v63  }
0xf1: {  	s24 =	smov.u32 s21;
	s21 =	smov.u32 s23  }
0xf2: {  	s26 =	sadd.s32 $0x4100, s23;
	s21 =	sshra.s32 s21, $0x2;
	s25 =	sadd.s32 $0x8380, s24  }
0xf3: {  	[hbm4b:s22+s2] =	stream.linear.scatter [tilespmem:s25], [sflag:$0x2], $0x80, $0x38;
	[tilespmem:$0x10400] =	vst v63  }
0xf4: {  	p0 =	sne.s32 s23, $0x1C700;
	s23 =	sadd.s32 $0x8588, s24;
	s25 =	sadd.s32 $0x10, s22  }
0xf5: {  	[hbm4b:s25+s2] =	stream.linear.scatter [tilespmem:s23], [sflag:$0x2], $0x80, $0x38;
	[tilespmem:$0x10400] =	vst v63  }
0xf6: {  	s23 =	sadd.s32 $0x8790, s24;
	s25 =	sadd.s32 $0x20, s22  }
0xf7: {  	[hbm4b:s25+s2] =	stream.linear.scatter [tilespmem:s23], [sflag:$0x2], $0x80, $0x38;
	[tilespmem:$0x10400] =	vst v63  }
0xf8: {  	s23 =	sadd.s32 $0x8998, s24;
	s25 =	sadd.s32 $0x30, s22  }
0xf9: {  	[hbm4b:s25+s2] =	stream.linear.scatter [tilespmem:s23], [sflag:$0x2], $0x80, $0x38;
	[tilespmem:$0x10400] =	vst v63  }
0xfa: {  	s23 =	sadd.s32 $0x8BA0, s24;
	s25 =	sadd.s32 $0x40, s22  }
0xfb: {  	[hbm4b:s25+s2] =	stream.linear.scatter [tilespmem:s23], [sflag:$0x2], $0x80, $0x38;
	[tilespmem:$0x10400] =	vst v63  }
.Ltmp4:
0xfc: {  	s23 =	sadd.s32 $0x8DA8, s24;
	s25 =	sadd.s32 $0x50, s22;
	(pc) =	sbr.rel @p0 .LBB2_10-.Ltmp4, $4  }
0xfd: {  	[hbm4b:s25+s2] =	stream.linear.scatter [tilespmem:s23], [sflag:$0x2], $0x80, $0x38;
	[tilespmem:$0x10400] =	vst v63  }
0xfe: {  	s23 =	sadd.s32 $0x8FB0, s24;
	s25 =	sadd.s32 $0x60, s22;
	s24 =	sadd.s32 $0x91B8, s24  }
0xff: {  	[hbm4b:s25+s2] =	stream.linear.scatter [tilespmem:s23], [sflag:$0x2], $0x80, $0x38;
	[tilespmem:$0x10400] =	vst v63  }
0x100: {  	s25 =	sadd.s32 $0x70, s22;
	s22 =	sadd.s32 $0x4000, s22;
	s23 =	smov.u32 s26  }
0x101: {  	[hbm4b:s25+s2] =	stream.linear.scatter [tilespmem:s24], [sflag:$0x2], $0x80, $0x38;
	[tilespmem:$0x10400] =	vst v63  }
0x102: {  	s23 =	sadd.s32 $0x8380, s21  }
0x103: {  	[hbm4b:s22+s2] =	stream.linear.scatter [tilespmem:s23], [sflag:$0x2], $0x80, $0x38;
	[tilespmem:$0x10400] =	vst v63  }
0x104: {  	s30 =	sadd.s32 $0x8588, s21;
	s31 =	sadd.s32 $0x10, s22  }
0x105: {  	[hbm4b:s31+s2] =	stream.linear.scatter [tilespmem:s30], [sflag:$0x2], $0x80, $0x38;
	[tilespmem:$0x10400] =	vst v63  }
0x106: {  	s25 =	sadd.s32 $0x8790, s21;
	s26 =	sadd.s32 $0x20, s22  }
0x107: {  	[hbm4b:s26+s2] =	stream.linear.scatter [tilespmem:s25], [sflag:$0x2], $0x80, $0x38;
	[tilespmem:$0x10400] =	vst v63  }
0x108: {  	s28 =	sadd.s32 $0x8998, s21;
	s29 =	sadd.s32 $0x30, s22  }
0x109: {  	[hbm4b:s29+s2] =	stream.linear.scatter [tilespmem:s28], [sflag:$0x2], $0x80, $0x38;
	[tilespmem:$0x10400] =	vst v63  }
0x10a: {  	s30 =	sadd.s32 $0x8BA0, s21;
	s31 =	sadd.s32 $0x40, s22  }
0x10b: {  	[hbm4b:s31+s2] =	stream.linear.scatter [tilespmem:s30], [sflag:$0x2], $0x80, $0x38;
	[tilespmem:$0x10400] =	vst v63  }
0x10c: {  	s20 =	sadd.s32 $0x1, s20;
	s25 =	sadd.s32 $0x8DA8, s21;
	s26 =	sadd.s32 $0x50, s22  }
0x10d: {  	[hbm4b:s26+s2] =	stream.linear.scatter [tilespmem:s25], [sflag:$0x2], $0x80, $0x38;
	[tilespmem:$0x10400] =	vst v63  }
0x10e: {  	p0 =	sne.s32 s20, s9;
	s28 =	sadd.s32 $0x8FB0, s21;
	s29 =	sadd.s32 $0x60, s22  }
0x10f: {  	[hbm4b:s29+s2] =	stream.linear.scatter [tilespmem:s28], [sflag:$0x2], $0x80, $0x38;
	[tilespmem:$0x10400] =	vst v63  }
.Ltmp5:
0x110: {  	s30 =	sadd.s32 $0x91B8, s21;
	s31 =	sadd.s32 $0x70, s22;
	(pc) =	sbr.rel @p0 .LBB2_1-.Ltmp5, $4  }
0x111: {  	[hbm4b:s31+s2] =	stream.linear.scatter [tilespmem:s30], [sflag:$0x2], $0x80, $0x38;
	[tilespmem:$0x10400] =	vst v63  }
0x112: {  	_ =	swait.ge [sflag:s10], $0x2000  }
0x113: {  	[sflag:s10] =	ssyncset.done $0x0  }
0x114: {  	[sflag:s10] =	ssyncadd.s32 $0xFFFFE000  }
0x115: {  	_ =	sfence.sel $0x180000  }
0x116: {  	[bflag:$0x0] =	sbarrier.arrive $0xFFFF  }
0x117: {  	p0 =	sne.s32 s1, $0x0;
	_ =	strace $0x90000047  }
0x118: {  	s0 =	sadd.s32 @!p0 $0x100000, s0;
	[bflag:$0x2] =	sbarrier.arrive $0xFFFF  }
0x119: {  	[sflag:s0] =	ssyncadd.tile.s32 @!p0 $0x1;
	_ =	shalt  }
.Lfunc_end2:
_tile_overlayer_lowered:
.L_overlay_start_2:
0x11a: {  	(tag) =	ssettag $0x2  }
0x11b: {  	s0 =	rddreg [dreg:$0x0];
	s2 =	stileid.u32  }
0x11c: {  	s1 =	rddreg [dreg:$0x1];
	p0 =	sne.s32 s2, $0x0  }
0x11d: {  	s3 =	rddreg [dreg:$0x2];
	[bflag:$0x3] =	sbarrier.arrive $0xFFFF;
	s2 =	simm.s32 @!p0 $0x1C02  }
0x11e: {  	[timem:s3], [sflag:s2] =	dma.local @!p0 [hbm:s0], s1  }
0x11f: {  	s0 =	simm.s32 @!p0 $0x2  }
0x120: {  	_ =	swait.ge @!p0 [sflag:s0], s1  }
0x121: {  	s1 =	ssub.s32 @!p0 $0x0, s1;
	[sflag:s0] =	ssyncset.done @!p0 $0x0  }
0x122: {  	[sflag:s0] =	ssyncadd.s32 @!p0 s1  }
0x123: {  	[bflag:$0x3] =	sbarrier.arrive $0xFFFF  }
0x124: {  	_ =	shalt  }

</sc_bundles>
